<compile_context>
chip_gen: v7x
topology: tpu7x:2x2x1
jax: 0.10.2.dev20260603
libtpu: 0.0.44.dev20260713+nightly
codegen_flags: <defaults>
</compile_context>

<pallas_src>
import functools

import jax
import jax.numpy as jnp
from jax import lax
from jax.experimental import pallas as pl
from jax.experimental.pallas import tpu as pltpu
from jax.experimental.pallas import tpu_sc as plsc

V = 201000
V_PAD = 201088
D = 128
NF = 3
B = 4096
R = B * NF

_NC, _NS = 2, 16
NW = _NC * _NS
B_PER_W = R // NW


@functools.cache
def _make_sc_gather():
    mesh = plsc.VectorSubcoreMesh(core_axis_name="c", subcore_axis_name="s",
                                  num_cores=_NC, num_subcores=_NS)

    @functools.partial(
        pl.kernel,
        out_type=jax.ShapeDtypeStruct((R, D), jnp.float32),
        mesh=mesh,
        scratch_types=(
            pltpu.VMEM((B_PER_W,), jnp.int32),
            tuple(pltpu.VMEM((B_PER_W // 4, D), jnp.float32) for _ in range(4)),
            tuple(pltpu.SemaphoreType.DMA for _ in range(4)),
        ),
    )
    def _sc_gather(emb_hbm, idx_hbm, emb_out, idx_v, rows_vs, sems):
        wid = lax.axis_index("s") * _NC + lax.axis_index("c")
        base = wid * B_PER_W
        ch = B_PER_W // 4
        pltpu.sync_copy(idx_hbm.at[pl.ds(base, B_PER_W)], idx_v)
        cps = [
            pltpu.async_copy(emb_hbm.at[idx_v.at[pl.ds(c * ch, ch)]],
                             rows_vs[c], sems[c])
            for c in range(4)
        ]
        for c in range(4):
            cps[c].wait()
            pltpu.sync_copy(rows_vs[c], emb_out.at[pl.ds(base + c * ch, ch)])

    return _sc_gather


@functools.cache
def _make_sc_fc_gather():
    mesh = plsc.VectorSubcoreMesh(core_axis_name="c", subcore_axis_name="s",
                                  num_cores=_NC, num_subcores=_NS)

    @functools.partial(
        pl.kernel,
        out_type=jax.ShapeDtypeStruct((R,), jnp.float32),
        mesh=mesh,
        scratch_types=(
            pltpu.VMEM((B_PER_W,), jnp.int32),
            pltpu.VMEM((B_PER_W,), jnp.float32),
            pltpu.SemaphoreType.DMA,
        ),
    )
    def _sc_fc(fc_hbm, idx_hbm, fc_out, idx_v, fc_v, sem_f):
        wid = lax.axis_index("s") * _NC + lax.axis_index("c")
        base = wid * B_PER_W
        pltpu.sync_copy(idx_hbm.at[pl.ds(base, B_PER_W)], idx_v)
        pltpu.async_copy(fc_hbm.at[idx_v], fc_v, sem_f).wait()
        pltpu.sync_copy(fc_v, fc_out.at[pl.ds(base, B_PER_W)])

    return _sc_fc


_BLK = 1024
_GRID = B // _BLK


def _dense_body(e0_ref, e1_ref, e2_ref, fc0_ref, fc1_ref, fc2_ref, bias_ref,
                w0_ref, b0_ref, w1_ref, b1_ref, w2_ref, b2_ref, w3_ref,
                b3_ref, out_ref):
    e0 = e0_ref[...]
    e1 = e1_ref[...]
    e2 = e2_ref[...]
    q = e0 * e1 + (e0 + e1) * e2
    bf = jnp.bfloat16
    w0 = w0_ref[...]
    a = jnp.dot(e0.astype(bf), w0[:D].astype(bf),
                preferred_element_type=jnp.float32)
    a += jnp.dot(e1.astype(bf), w0[D:2 * D].astype(bf),
                 preferred_element_type=jnp.float32)
    a += jnp.dot(e2.astype(bf), w0[2 * D:].astype(bf),
                 preferred_element_type=jnp.float32)
    a = jnp.maximum(a + b0_ref[...], 0.0)
    a = jnp.maximum(jnp.dot(a.astype(bf), w1_ref[...].astype(bf),
                            preferred_element_type=jnp.float32) + b1_ref[...], 0.0)
    a = jnp.maximum(jnp.dot(a.astype(bf), w2_ref[...].astype(bf),
                            preferred_element_type=jnp.float32) + b2_ref[...], 0.0)
    mlp = jnp.dot(a.astype(bf), w3_ref[...].astype(bf),
                  preferred_element_type=jnp.float32)
    fm2 = jnp.dot(q, jnp.full((D, 1), 1.0, jnp.float32),
                  preferred_element_type=jnp.float32)
    z = (mlp[:, 0] + fm2[:, 0] + fc0_ref[...] + fc1_ref[...]
         + fc2_ref[...] + bias_ref[0] + b3_ref[0])
    out_ref[...] = jax.nn.sigmoid(z)


def _dense(emb_rows, fc_vals, bias, W0, b0, W1, b1, W2, b2, W3, b3):
    full = lambda shape: pl.BlockSpec(shape, lambda i: (0,) * len(shape))
    eblk = lambda f: pl.BlockSpec((_BLK, D), lambda i, f=f: (f * _GRID + i, 0))
    fcblk = lambda f: pl.BlockSpec((_BLK,), lambda i, f=f: (f * _GRID + i,))
    return pl.pallas_call(
        _dense_body,
        grid=(_GRID,),
        in_specs=[
            eblk(0), eblk(1), eblk(2),
            fcblk(0), fcblk(1), fcblk(2),
            full((1,)),
            full((NF * D, 256)), full((256,)),
            full((256, 128)), full((128,)),
            full((128, 64)), full((64,)),
            full((64, 1)), full((1,)),
        ],
        out_specs=pl.BlockSpec((_BLK,), lambda i: (i,)),
        out_shape=jax.ShapeDtypeStruct((B,), jnp.float32),
    )(emb_rows, emb_rows, emb_rows, fc_vals, fc_vals, fc_vals,
      bias, W0, b0, W1, b1, W2, b2, W3, b3)


def kernel(x, bias, fc_table, emb_table, W0, b0, W1, b1, W2, b2, W3, b3):
    idx = x.T.reshape(-1).astype(jnp.int32)
    fc_flat = jnp.pad(fc_table, ((0, V_PAD - V), (0, 0))).reshape(V_PAD)
    emb_rows = _make_sc_gather()(emb_table, idx)
    idx_after = lax.optimization_barrier((idx, emb_rows))[0]
    fc_vals = _make_sc_fc_gather()(fc_flat, idx_after)
    return _dense(emb_rows, fc_vals, bias, W0, b0, W1, b1, W2, b2, W3, b3)

# --- scband reference (transcript-rebuilt; emitter-appended) ---
"""Pipeline reference for scband-deep-fm-32263794328304 (READ-ONLY COPY).

The authoritative reference and input builder live on the scoring server;
editing this copy changes nothing except your own understanding.
"""

import jax, jax.numpy as jnp
import numpy as np

V = 201000  # sum(input_dims) = 100000 + 100000 + 1000
D = 128     # embedding_dim
NF = 3      # number of fields
MLP_DIMS = [256, 128, 64]
B = 4096


def setup_inputs(seed: int = 0) -> dict:
    key = jax.random.key(seed)
    ks = jax.random.split(key, 16)
    x = jax.random.randint(ks[0], (B, NF), 0, V, dtype=jnp.int64)
    bias = jnp.zeros((1,), dtype=jnp.float32)
    fc_table = jax.random.normal(ks[1], (V, 1), dtype=jnp.float32) * 0.01
    emb_table = jax.random.normal(ks[2], (V, D), dtype=jnp.float32) * 0.01
    in_dim = NF * D  # 384
    dims = [in_dim] + MLP_DIMS + [1]
    params = {}
    for i in range(len(dims) - 1):
        fan_in = dims[i]
        bound = 1.0 / np.sqrt(fan_in)
        params[f"W{i}"] = jax.random.uniform(ks[3 + 2 * i], (dims[i], dims[i + 1]), dtype=jnp.float32, minval=-bound, maxval=bound)
        params[f"b{i}"] = jax.random.uniform(ks[4 + 2 * i], (dims[i + 1],), dtype=jnp.float32, minval=-bound, maxval=bound)
    out = {"x": x, "bias": bias, "fc_table": fc_table, "emb_table": emb_table}
    out.update(params)
    return out


def reference(x, bias, fc_table, emb_table, W0, b0, W1, b1, W2, b2, W3, b3):
    # embedding lookups
    embed_x = jnp.take(emb_table, x, axis=0)            # [B, NF, D]
    fc_x = jnp.take(fc_table, x, axis=0)                # [B, NF, 1]
    # FM part
    fm_y = bias + jnp.sum(fc_x, axis=1)                 # [B, 1]
    square_of_sum = jnp.sum(embed_x, axis=1) ** 2       # [B, D]
    sum_of_square = jnp.sum(embed_x ** 2, axis=1)       # [B, D]
    fm_y = fm_y + 0.5 * jnp.sum(square_of_sum - sum_of_square, axis=1, keepdims=True)
    fm_y = fm_y[:, 0]                                   # squeeze(1)
    # Deep (MLP) part — dropout is identity at inference
    h = embed_x.reshape(-1, NF * D)
    h = jax.nn.relu(h @ W0 + b0)
    h = jax.nn.relu(h @ W1 + b1)
    h = jax.nn.relu(h @ W2 + b2)
    mlp_y = (h @ W3 + b3)[:, 0]                          # squeeze(1)
    y = jax.nn.sigmoid(fm_y + mlp_y)
    return y

if __name__ == "__main__":
    import jax
    _d = setup_inputs()
    print(jax.jit(kernel)(*tuple(_d.values())))

</pallas_src>

<mosaic_0001>
#map = affine_map<(d0, d1) -> (0, 0)>
#map1 = affine_map<(d0, d1) -> (0)>
module attributes {stable_mosaic.version = 14 : i64} {
  func.func @_sc_gather(%arg0: i32, %arg1: i32, %arg2: memref<201000x128xf32, #tpu.memory_space<hbm>>, %arg3: memref<12288xi32, #tpu.memory_space<hbm>>, %arg4: memref<12288x128xf32, #tpu.memory_space<hbm>>, %arg5: memref<384xi32, #tpu.memory_space<vmem>>, %arg6: memref<96x128xf32, #tpu.memory_space<vmem>>, %arg7: memref<96x128xf32, #tpu.memory_space<vmem>>, %arg8: memref<96x128xf32, #tpu.memory_space<vmem>>, %arg9: memref<96x128xf32, #tpu.memory_space<vmem>>, %arg10: memref<!tpu.dma_semaphore, #tpu.memory_space<semaphore_mem>>, %arg11: memref<!tpu.dma_semaphore, #tpu.memory_space<semaphore_mem>>, %arg12: memref<!tpu.dma_semaphore, #tpu.memory_space<semaphore_mem>>, %arg13: memref<!tpu.dma_semaphore, #tpu.memory_space<semaphore_mem>>) attributes {dimension_semantics = [#tpu.dimension_semantics<core_parallel>, #tpu.dimension_semantics<subcore_parallel>], iteration_bounds = array<i64: 2, 16>, scalar_prefetch = 0 : i64, scratch_operands = 9 : i64, tpu.core_type = #tpu.core_type<sc_vector_subcore>, window_params = [{transform_indices = #map}, {transform_indices = #map1}, {transform_indices = #map}]} {
    %mul3A = arith.constant 2 : i32
    %mul3A_0 = arith.muli %arg1, %mul3A : i32
    %add3A = arith.addi %mul3A_0, %arg0 : i32
    %mul3A_1 = arith.constant 384 : i32
    %mul3A_2 = arith.muli %add3A, %mul3A_1 : i32
    "tpu.region"() ({
      %run_scoped3A = tpu.sem_alloc : memref<!tpu.dma_semaphore, #tpu.memory_space<semaphore_mem>>
      %dma_start3A_49 = tpu.memref_slice %arg3[%mul3A_2] : memref<12288xi32, #tpu.memory_space<hbm>> -> memref<384xi32, #tpu.memory_space<hbm>>
      %dma_start3A_50 = tpu.memref_slice %arg3[%mul3A_2] : memref<12288xi32, #tpu.memory_space<hbm>> -> memref<384xi32, #tpu.memory_space<hbm>>
      tpu.enqueue_dma source(%dma_start3A_50 : memref<384xi32, #tpu.memory_space<hbm>>) target(%arg5 : memref<384xi32, #tpu.memory_space<vmem>>) target_semaphore(%run_scoped3A : memref<!tpu.dma_semaphore, #tpu.memory_space<semaphore_mem>>)
      %dma_wait3A_51 = tpu.memref_slice %arg3[%mul3A_2] : memref<12288xi32, #tpu.memory_space<hbm>> -> memref<384xi32, #tpu.memory_space<hbm>>
      %dma_wait3A_52 = tpu.memref_slice %arg3[%mul3A_2] : memref<12288xi32, #tpu.memory_space<hbm>> -> memref<384xi32, #tpu.memory_space<hbm>>
      tpu.wait_dma2 semaphore(%run_scoped3A : memref<!tpu.dma_semaphore, #tpu.memory_space<semaphore_mem>>) src(%dma_wait3A_52 : memref<384xi32, #tpu.memory_space<hbm>>) dst(%arg5 : memref<384xi32, #tpu.memory_space<vmem>>)
      tpu.yield
    }) : () -> ()
    %dma_start3A = arith.constant 0 : i32
    %dma_start3A_3 = tpu.memref_slice %arg5[%dma_start3A] : memref<384xi32, #tpu.memory_space<vmem>> -> memref<96xi32, #tpu.memory_space<vmem>>
    %dma_start3A_4 = arith.constant 0 : i32
    %dma_start3A_5 = arith.constant 0 : i32
    %dma_start3A_6 = tpu.memref_slice %arg2[%dma_start3A_4, %dma_start3A_5] : memref<201000x128xf32, #tpu.memory_space<hbm>> -> memref<201000x128xf32, #tpu.memory_space<hbm>>
    tpu.enqueue_indirect_dma source(%dma_start3A_6 : memref<201000x128xf32, #tpu.memory_space<hbm>>) target(%arg6 : memref<96x128xf32, #tpu.memory_space<vmem>>) offsets(%dma_start3A_3 : memref<96xi32, #tpu.memory_space<vmem>>) semaphore(%arg10 : memref<!tpu.dma_semaphore, #tpu.memory_space<semaphore_mem>>)
    %dma_start3A_7 = arith.constant 96 : i32
    %dma_start3A_8 = tpu.memref_slice %arg5[%dma_start3A_7] : memref<384xi32, #tpu.memory_space<vmem>> -> memref<96xi32, #tpu.memory_space<vmem>>
    %dma_start3A_9 = arith.constant 0 : i32
    %dma_start3A_10 = arith.constant 0 : i32
    %dma_start3A_11 = tpu.memref_slice %arg2[%dma_start3A_9, %dma_start3A_10] : memref<201000x128xf32, #tpu.memory_space<hbm>> -> memref<201000x128xf32, #tpu.memory_space<hbm>>
    tpu.enqueue_indirect_dma source(%dma_start3A_11 : memref<201000x128xf32, #tpu.memory_space<hbm>>) target(%arg7 : memref<96x128xf32, #tpu.memory_space<vmem>>) offsets(%dma_start3A_8 : memref<96xi32, #tpu.memory_space<vmem>>) semaphore(%arg11 : memref<!tpu.dma_semaphore, #tpu.memory_space<semaphore_mem>>)
    %dma_start3A_12 = arith.constant 192 : i32
    %dma_start3A_13 = tpu.memref_slice %arg5[%dma_start3A_12] : memref<384xi32, #tpu.memory_space<vmem>> -> memref<96xi32, #tpu.memory_space<vmem>>
    %dma_start3A_14 = arith.constant 0 : i32
    %dma_start3A_15 = arith.constant 0 : i32
    %dma_start3A_16 = tpu.memref_slice %arg2[%dma_start3A_14, %dma_start3A_15] : memref<201000x128xf32, #tpu.memory_space<hbm>> -> memref<201000x128xf32, #tpu.memory_space<hbm>>
    tpu.enqueue_indirect_dma source(%dma_start3A_16 : memref<201000x128xf32, #tpu.memory_space<hbm>>) target(%arg8 : memref<96x128xf32, #tpu.memory_space<vmem>>) offsets(%dma_start3A_13 : memref<96xi32, #tpu.memory_space<vmem>>) semaphore(%arg12 : memref<!tpu.dma_semaphore, #tpu.memory_space<semaphore_mem>>)
    %dma_start3A_17 = arith.constant 288 : i32
    %dma_start3A_18 = tpu.memref_slice %arg5[%dma_start3A_17] : memref<384xi32, #tpu.memory_space<vmem>> -> memref<96xi32, #tpu.memory_space<vmem>>
    %dma_start3A_19 = arith.constant 0 : i32
    %dma_start3A_20 = arith.constant 0 : i32
    %dma_start3A_21 = tpu.memref_slice %arg2[%dma_start3A_19, %dma_start3A_20] : memref<201000x128xf32, #tpu.memory_space<hbm>> -> memref<201000x128xf32, #tpu.memory_space<hbm>>
    tpu.enqueue_indirect_dma source(%dma_start3A_21 : memref<201000x128xf32, #tpu.memory_space<hbm>>) target(%arg9 : memref<96x128xf32, #tpu.memory_space<vmem>>) offsets(%dma_start3A_18 : memref<96xi32, #tpu.memory_space<vmem>>) semaphore(%arg13 : memref<!tpu.dma_semaphore, #tpu.memory_space<semaphore_mem>>)
    %dma_wait3A = arith.constant 0 : i32
    %dma_wait3A_22 = tpu.memref_slice %arg5[%dma_wait3A] : memref<384xi32, #tpu.memory_space<vmem>> -> memref<96xi32, #tpu.memory_space<vmem>>
    %dma_wait3A_23 = arith.constant 0 : i32
    %dma_wait3A_24 = arith.constant 0 : i32
    %dma_wait3A_25 = tpu.memref_slice %arg2[%dma_wait3A_23, %dma_wait3A_24] : memref<201000x128xf32, #tpu.memory_space<hbm>> -> memref<201000x128xf32, #tpu.memory_space<hbm>>
    tpu.wait_indirect_dma semaphore(%arg10 : memref<!tpu.dma_semaphore, #tpu.memory_space<semaphore_mem>>) src(%dma_wait3A_25 : memref<201000x128xf32, #tpu.memory_space<hbm>>) dst(%arg6 : memref<96x128xf32, #tpu.memory_space<vmem>>)
    %add3A_26 = arith.constant 0 : i32
    %add3A_27 = arith.addi %mul3A_2, %add3A_26 : i32
    "tpu.region"() ({
      %run_scoped3A = tpu.sem_alloc : memref<!tpu.dma_semaphore, #tpu.memory_space<semaphore_mem>>
      %dma_start3A_49 = arith.constant 0 : i32
      %dma_start3A_50 = tpu.memref_slice %arg4[%add3A_27, %dma_start3A_49] : memref<12288x128xf32, #tpu.memory_space<hbm>> -> memref<96x128xf32, #tpu.memory_space<hbm>>
      %dma_start3A_51 = arith.constant 0 : i32
      %dma_start3A_52 = tpu.memref_slice %arg4[%add3A_27, %dma_start3A_51] : memref<12288x128xf32, #tpu.memory_space<hbm>> -> memref<96x128xf32, #tpu.memory_space<hbm>>
      tpu.enqueue_dma source(%arg6 : memref<96x128xf32, #tpu.memory_space<vmem>>) target(%dma_start3A_52 : memref<96x128xf32, #tpu.memory_space<hbm>>) target_semaphore(%run_scoped3A : memref<!tpu.dma_semaphore, #tpu.memory_space<semaphore_mem>>)
      %dma_wait3A_53 = arith.constant 0 : i32
      %dma_wait3A_54 = tpu.memref_slice %arg4[%add3A_27, %dma_wait3A_53] : memref<12288x128xf32, #tpu.memory_space<hbm>> -> memref<96x128xf32, #tpu.memory_space<hbm>>
      %dma_wait3A_55 = arith.constant 0 : i32
      %dma_wait3A_56 = tpu.memref_slice %arg4[%add3A_27, %dma_wait3A_55] : memref<12288x128xf32, #tpu.memory_space<hbm>> -> memref<96x128xf32, #tpu.memory_space<hbm>>
      tpu.wait_dma2 semaphore(%run_scoped3A : memref<!tpu.dma_semaphore, #tpu.memory_space<semaphore_mem>>) src(%arg6 : memref<96x128xf32, #tpu.memory_space<vmem>>) dst(%dma_wait3A_56 : memref<96x128xf32, #tpu.memory_space<hbm>>)
      tpu.yield
    }) : () -> ()
    %dma_wait3A_28 = arith.constant 96 : i32
    %dma_wait3A_29 = tpu.memref_slice %arg5[%dma_wait3A_28] : memref<384xi32, #tpu.memory_space<vmem>> -> memref<96xi32, #tpu.memory_space<vmem>>
    %dma_wait3A_30 = arith.constant 0 : i32
    %dma_wait3A_31 = arith.constant 0 : i32
    %dma_wait3A_32 = tpu.memref_slice %arg2[%dma_wait3A_30, %dma_wait3A_31] : memref<201000x128xf32, #tpu.memory_space<hbm>> -> memref<201000x128xf32, #tpu.memory_space<hbm>>
    tpu.wait_indirect_dma semaphore(%arg11 : memref<!tpu.dma_semaphore, #tpu.memory_space<semaphore_mem>>) src(%dma_wait3A_32 : memref<201000x128xf32, #tpu.memory_space<hbm>>) dst(%arg7 : memref<96x128xf32, #tpu.memory_space<vmem>>)
    %add3A_33 = arith.constant 96 : i32
    %add3A_34 = arith.addi %mul3A_2, %add3A_33 : i32
    "tpu.region"() ({
      %run_scoped3A = tpu.sem_alloc : memref<!tpu.dma_semaphore, #tpu.memory_space<semaphore_mem>>
      %dma_start3A_49 = arith.constant 0 : i32
      %dma_start3A_50 = tpu.memref_slice %arg4[%add3A_34, %dma_start3A_49] : memref<12288x128xf32, #tpu.memory_space<hbm>> -> memref<96x128xf32, #tpu.memory_space<hbm>>
      %dma_start3A_51 = arith.constant 0 : i32
      %dma_start3A_52 = tpu.memref_slice %arg4[%add3A_34, %dma_start3A_51] : memref<12288x128xf32, #tpu.memory_space<hbm>> -> memref<96x128xf32, #tpu.memory_space<hbm>>
      tpu.enqueue_dma source(%arg7 : memref<96x128xf32, #tpu.memory_space<vmem>>) target(%dma_start3A_52 : memref<96x128xf32, #tpu.memory_space<hbm>>) target_semaphore(%run_scoped3A : memref<!tpu.dma_semaphore, #tpu.memory_space<semaphore_mem>>)
      %dma_wait3A_53 = arith.constant 0 : i32
      %dma_wait3A_54 = tpu.memref_slice %arg4[%add3A_34, %dma_wait3A_53] : memref<12288x128xf32, #tpu.memory_space<hbm>> -> memref<96x128xf32, #tpu.memory_space<hbm>>
      %dma_wait3A_55 = arith.constant 0 : i32
      %dma_wait3A_56 = tpu.memref_slice %arg4[%add3A_34, %dma_wait3A_55] : memref<12288x128xf32, #tpu.memory_space<hbm>> -> memref<96x128xf32, #tpu.memory_space<hbm>>
      tpu.wait_dma2 semaphore(%run_scoped3A : memref<!tpu.dma_semaphore, #tpu.memory_space<semaphore_mem>>) src(%arg7 : memref<96x128xf32, #tpu.memory_space<vmem>>) dst(%dma_wait3A_56 : memref<96x128xf32, #tpu.memory_space<hbm>>)
      tpu.yield
    }) : () -> ()
    %dma_wait3A_35 = arith.constant 192 : i32
    %dma_wait3A_36 = tpu.memref_slice %arg5[%dma_wait3A_35] : memref<384xi32, #tpu.memory_space<vmem>> -> memref<96xi32, #tpu.memory_space<vmem>>
    %dma_wait3A_37 = arith.constant 0 : i32
    %dma_wait3A_38 = arith.constant 0 : i32
    %dma_wait3A_39 = tpu.memref_slice %arg2[%dma_wait3A_37, %dma_wait3A_38] : memref<201000x128xf32, #tpu.memory_space<hbm>> -> memref<201000x128xf32, #tpu.memory_space<hbm>>
    tpu.wait_indirect_dma semaphore(%arg12 : memref<!tpu.dma_semaphore, #tpu.memory_space<semaphore_mem>>) src(%dma_wait3A_39 : memref<201000x128xf32, #tpu.memory_space<hbm>>) dst(%arg8 : memref<96x128xf32, #tpu.memory_space<vmem>>)
    %add3A_40 = arith.constant 192 : i32
    %add3A_41 = arith.addi %mul3A_2, %add3A_40 : i32
    "tpu.region"() ({
      %run_scoped3A = tpu.sem_alloc : memref<!tpu.dma_semaphore, #tpu.memory_space<semaphore_mem>>
      %dma_start3A_49 = arith.constant 0 : i32
      %dma_start3A_50 = tpu.memref_slice %arg4[%add3A_41, %dma_start3A_49] : memref<12288x128xf32, #tpu.memory_space<hbm>> -> memref<96x128xf32, #tpu.memory_space<hbm>>
      %dma_start3A_51 = arith.constant 0 : i32
      %dma_start3A_52 = tpu.memref_slice %arg4[%add3A_41, %dma_start3A_51] : memref<12288x128xf32, #tpu.memory_space<hbm>> -> memref<96x128xf32, #tpu.memory_space<hbm>>
      tpu.enqueue_dma source(%arg8 : memref<96x128xf32, #tpu.memory_space<vmem>>) target(%dma_start3A_52 : memref<96x128xf32, #tpu.memory_space<hbm>>) target_semaphore(%run_scoped3A : memref<!tpu.dma_semaphore, #tpu.memory_space<semaphore_mem>>)
      %dma_wait3A_53 = arith.constant 0 : i32
      %dma_wait3A_54 = tpu.memref_slice %arg4[%add3A_41, %dma_wait3A_53] : memref<12288x128xf32, #tpu.memory_space<hbm>> -> memref<96x128xf32, #tpu.memory_space<hbm>>
      %dma_wait3A_55 = arith.constant 0 : i32
      %dma_wait3A_56 = tpu.memref_slice %arg4[%add3A_41, %dma_wait3A_55] : memref<12288x128xf32, #tpu.memory_space<hbm>> -> memref<96x128xf32, #tpu.memory_space<hbm>>
      tpu.wait_dma2 semaphore(%run_scoped3A : memref<!tpu.dma_semaphore, #tpu.memory_space<semaphore_mem>>) src(%arg8 : memref<96x128xf32, #tpu.memory_space<vmem>>) dst(%dma_wait3A_56 : memref<96x128xf32, #tpu.memory_space<hbm>>)
      tpu.yield
    }) : () -> ()
    %dma_wait3A_42 = arith.constant 288 : i32
    %dma_wait3A_43 = tpu.memref_slice %arg5[%dma_wait3A_42] : memref<384xi32, #tpu.memory_space<vmem>> -> memref<96xi32, #tpu.memory_space<vmem>>
    %dma_wait3A_44 = arith.constant 0 : i32
    %dma_wait3A_45 = arith.constant 0 : i32
    %dma_wait3A_46 = tpu.memref_slice %arg2[%dma_wait3A_44, %dma_wait3A_45] : memref<201000x128xf32, #tpu.memory_space<hbm>> -> memref<201000x128xf32, #tpu.memory_space<hbm>>
    tpu.wait_indirect_dma semaphore(%arg13 : memref<!tpu.dma_semaphore, #tpu.memory_space<semaphore_mem>>) src(%dma_wait3A_46 : memref<201000x128xf32, #tpu.memory_space<hbm>>) dst(%arg9 : memref<96x128xf32, #tpu.memory_space<vmem>>)
    %add3A_47 = arith.constant 288 : i32
    %add3A_48 = arith.addi %mul3A_2, %add3A_47 : i32
    "tpu.region"() ({
      %run_scoped3A = tpu.sem_alloc : memref<!tpu.dma_semaphore, #tpu.memory_space<semaphore_mem>>
      %dma_start3A_49 = arith.constant 0 : i32
      %dma_start3A_50 = tpu.memref_slice %arg4[%add3A_48, %dma_start3A_49] : memref<12288x128xf32, #tpu.memory_space<hbm>> -> memref<96x128xf32, #tpu.memory_space<hbm>>
      %dma_start3A_51 = arith.constant 0 : i32
      %dma_start3A_52 = tpu.memref_slice %arg4[%add3A_48, %dma_start3A_51] : memref<12288x128xf32, #tpu.memory_space<hbm>> -> memref<96x128xf32, #tpu.memory_space<hbm>>
      tpu.enqueue_dma source(%arg9 : memref<96x128xf32, #tpu.memory_space<vmem>>) target(%dma_start3A_52 : memref<96x128xf32, #tpu.memory_space<hbm>>) target_semaphore(%run_scoped3A : memref<!tpu.dma_semaphore, #tpu.memory_space<semaphore_mem>>)
      %dma_wait3A_53 = arith.constant 0 : i32
      %dma_wait3A_54 = tpu.memref_slice %arg4[%add3A_48, %dma_wait3A_53] : memref<12288x128xf32, #tpu.memory_space<hbm>> -> memref<96x128xf32, #tpu.memory_space<hbm>>
      %dma_wait3A_55 = arith.constant 0 : i32
      %dma_wait3A_56 = tpu.memref_slice %arg4[%add3A_48, %dma_wait3A_55] : memref<12288x128xf32, #tpu.memory_space<hbm>> -> memref<96x128xf32, #tpu.memory_space<hbm>>
      tpu.wait_dma2 semaphore(%run_scoped3A : memref<!tpu.dma_semaphore, #tpu.memory_space<semaphore_mem>>) src(%arg9 : memref<96x128xf32, #tpu.memory_space<vmem>>) dst(%dma_wait3A_56 : memref<96x128xf32, #tpu.memory_space<hbm>>)
      tpu.yield
    }) : () -> ()
    return
  }
}

#map = affine_map<(d0, d1) -> (0)>
module attributes {stable_mosaic.version = 14 : i64} {
  func.func @_sc_fc(%arg0: i32, %arg1: i32, %arg2: memref<201088xf32, #tpu.memory_space<hbm>>, %arg3: memref<12288xi32, #tpu.memory_space<hbm>>, %arg4: memref<12288xf32, #tpu.memory_space<hbm>>, %arg5: memref<384xi32, #tpu.memory_space<vmem>>, %arg6: memref<384xf32, #tpu.memory_space<vmem>>, %arg7: memref<!tpu.dma_semaphore, #tpu.memory_space<semaphore_mem>>) attributes {dimension_semantics = [#tpu.dimension_semantics<core_parallel>, #tpu.dimension_semantics<subcore_parallel>], iteration_bounds = array<i64: 2, 16>, scalar_prefetch = 0 : i64, scratch_operands = 3 : i64, tpu.core_type = #tpu.core_type<sc_vector_subcore>, window_params = [{transform_indices = #map}, {transform_indices = #map}, {transform_indices = #map}]} {
    %mul3A = arith.constant 2 : i32
    %mul3A_0 = arith.muli %arg1, %mul3A : i32
    %add3A = arith.addi %mul3A_0, %arg0 : i32
    %mul3A_1 = arith.constant 384 : i32
    %mul3A_2 = arith.muli %add3A, %mul3A_1 : i32
    "tpu.region"() ({
      %run_scoped3A = tpu.sem_alloc : memref<!tpu.dma_semaphore, #tpu.memory_space<semaphore_mem>>
      %dma_start3A_5 = tpu.memref_slice %arg3[%mul3A_2] : memref<12288xi32, #tpu.memory_space<hbm>> -> memref<384xi32, #tpu.memory_space<hbm>>
      %dma_start3A_6 = tpu.memref_slice %arg3[%mul3A_2] : memref<12288xi32, #tpu.memory_space<hbm>> -> memref<384xi32, #tpu.memory_space<hbm>>
      tpu.enqueue_dma source(%dma_start3A_6 : memref<384xi32, #tpu.memory_space<hbm>>) target(%arg5 : memref<384xi32, #tpu.memory_space<vmem>>) target_semaphore(%run_scoped3A : memref<!tpu.dma_semaphore, #tpu.memory_space<semaphore_mem>>)
      %dma_wait3A_7 = tpu.memref_slice %arg3[%mul3A_2] : memref<12288xi32, #tpu.memory_space<hbm>> -> memref<384xi32, #tpu.memory_space<hbm>>
      %dma_wait3A_8 = tpu.memref_slice %arg3[%mul3A_2] : memref<12288xi32, #tpu.memory_space<hbm>> -> memref<384xi32, #tpu.memory_space<hbm>>
      tpu.wait_dma2 semaphore(%run_scoped3A : memref<!tpu.dma_semaphore, #tpu.memory_space<semaphore_mem>>) src(%dma_wait3A_8 : memref<384xi32, #tpu.memory_space<hbm>>) dst(%arg5 : memref<384xi32, #tpu.memory_space<vmem>>)
      tpu.yield
    }) : () -> ()
    %dma_start3A = arith.constant 0 : i32
    %dma_start3A_3 = tpu.memref_slice %arg2[%dma_start3A] : memref<201088xf32, #tpu.memory_space<hbm>> -> memref<201088xf32, #tpu.memory_space<hbm>>
    tpu.enqueue_indirect_dma source(%dma_start3A_3 : memref<201088xf32, #tpu.memory_space<hbm>>) target(%arg6 : memref<384xf32, #tpu.memory_space<vmem>>) offsets(%arg5 : memref<384xi32, #tpu.memory_space<vmem>>) semaphore(%arg7 : memref<!tpu.dma_semaphore, #tpu.memory_space<semaphore_mem>>)
    %dma_wait3A = arith.constant 0 : i32
    %dma_wait3A_4 = tpu.memref_slice %arg2[%dma_wait3A] : memref<201088xf32, #tpu.memory_space<hbm>> -> memref<201088xf32, #tpu.memory_space<hbm>>
    tpu.wait_indirect_dma semaphore(%arg7 : memref<!tpu.dma_semaphore, #tpu.memory_space<semaphore_mem>>) src(%dma_wait3A_4 : memref<201088xf32, #tpu.memory_space<hbm>>) dst(%arg6 : memref<384xf32, #tpu.memory_space<vmem>>)
    "tpu.region"() ({
      %run_scoped3A = tpu.sem_alloc : memref<!tpu.dma_semaphore, #tpu.memory_space<semaphore_mem>>
      %dma_start3A_5 = tpu.memref_slice %arg4[%mul3A_2] : memref<12288xf32, #tpu.memory_space<hbm>> -> memref<384xf32, #tpu.memory_space<hbm>>
      %dma_start3A_6 = tpu.memref_slice %arg4[%mul3A_2] : memref<12288xf32, #tpu.memory_space<hbm>> -> memref<384xf32, #tpu.memory_space<hbm>>
      tpu.enqueue_dma source(%arg6 : memref<384xf32, #tpu.memory_space<vmem>>) target(%dma_start3A_6 : memref<384xf32, #tpu.memory_space<hbm>>) target_semaphore(%run_scoped3A : memref<!tpu.dma_semaphore, #tpu.memory_space<semaphore_mem>>)
      %dma_wait3A_7 = tpu.memref_slice %arg4[%mul3A_2] : memref<12288xf32, #tpu.memory_space<hbm>> -> memref<384xf32, #tpu.memory_space<hbm>>
      %dma_wait3A_8 = tpu.memref_slice %arg4[%mul3A_2] : memref<12288xf32, #tpu.memory_space<hbm>> -> memref<384xf32, #tpu.memory_space<hbm>>
      tpu.wait_dma2 semaphore(%run_scoped3A : memref<!tpu.dma_semaphore, #tpu.memory_space<semaphore_mem>>) src(%arg6 : memref<384xf32, #tpu.memory_space<vmem>>) dst(%dma_wait3A_8 : memref<384xf32, #tpu.memory_space<hbm>>)
      tpu.yield
    }) : () -> ()
    return
  }
}

module attributes {stable_mosaic.version = 14 : i64} {
  func.func @_dense_body(%arg0: i32, %arg1: memref<1024x128xf32, #tpu.memory_space<vmem>>, %arg2: memref<1024x128xf32, #tpu.memory_space<vmem>>, %arg3: memref<1024x128xf32, #tpu.memory_space<vmem>>, %arg4: memref<1024xf32, #tpu.memory_space<vmem>>, %arg5: memref<1024xf32, #tpu.memory_space<vmem>>, %arg6: memref<1024xf32, #tpu.memory_space<vmem>>, %arg7: memref<1xf32, #tpu.memory_space<vmem>>, %arg8: memref<384x256xf32, #tpu.memory_space<vmem>>, %arg9: memref<256xf32, #tpu.memory_space<vmem>>, %arg10: memref<256x128xf32, #tpu.memory_space<vmem>>, %arg11: memref<128xf32, #tpu.memory_space<vmem>>, %arg12: memref<128x64xf32, #tpu.memory_space<vmem>>, %arg13: memref<64xf32, #tpu.memory_space<vmem>>, %arg14: memref<64x1xf32, #tpu.memory_space<vmem>>, %arg15: memref<1xf32, #tpu.memory_space<vmem>>, %arg16: memref<1024xf32, #tpu.memory_space<vmem>>) attributes {dimension_semantics = [#tpu.dimension_semantics<arbitrary>], iteration_bounds = array<i64: 4>, scalar_prefetch = 0 : i64, scratch_operands = 0 : i64, tpu.core_type = #tpu.core_type<tc>, window_params = [{transform_indices = @transform_0, window_bounds = array<i64: 1024, 128>}, {transform_indices = @transform_1, window_bounds = array<i64: 1024, 128>}, {transform_indices = @transform_2, window_bounds = array<i64: 1024, 128>}, {transform_indices = @transform_3, window_bounds = array<i64: 1024>}, {transform_indices = @transform_4, window_bounds = array<i64: 1024>}, {transform_indices = @transform_5, window_bounds = array<i64: 1024>}, {pipeline_mode = #tpu.pipeline_mode<synchronous>, transform_indices = @transform_6, window_bounds = array<i64: 1>}, {pipeline_mode = #tpu.pipeline_mode<synchronous>, transform_indices = @transform_7, window_bounds = array<i64: 384, 256>}, {pipeline_mode = #tpu.pipeline_mode<synchronous>, transform_indices = @transform_8, window_bounds = array<i64: 256>}, {pipeline_mode = #tpu.pipeline_mode<synchronous>, transform_indices = @transform_9, window_bounds = array<i64: 256, 128>}, {pipeline_mode = #tpu.pipeline_mode<synchronous>, transform_indices = @transform_10, window_bounds = array<i64: 128>}, {pipeline_mode = #tpu.pipeline_mode<synchronous>, transform_indices = @transform_11, window_bounds = array<i64: 128, 64>}, {pipeline_mode = #tpu.pipeline_mode<synchronous>, transform_indices = @transform_12, window_bounds = array<i64: 64>}, {pipeline_mode = #tpu.pipeline_mode<synchronous>, transform_indices = @transform_13, window_bounds = array<i64: 64, 1>}, {pipeline_mode = #tpu.pipeline_mode<synchronous>, transform_indices = @transform_14, window_bounds = array<i64: 1>}, {transform_indices = @transform_15, window_bounds = array<i64: 1024>}]} {
    %get3A = arith.constant 0 : index
    %get3A_0 = arith.constant 0 : index
    %get3A_1 = vector.load %arg1[%get3A, %get3A_0] : memref<1024x128xf32, #tpu.memory_space<vmem>>, vector<1024x128xf32>
    %get3A_2 = arith.constant 0 : index
    %get3A_3 = arith.constant 0 : index
    %get3A_4 = vector.load %arg2[%get3A_2, %get3A_3] : memref<1024x128xf32, #tpu.memory_space<vmem>>, vector<1024x128xf32>
    %get3A_5 = arith.constant 0 : index
    %get3A_6 = arith.constant 0 : index
    %get3A_7 = vector.load %arg3[%get3A_5, %get3A_6] : memref<1024x128xf32, #tpu.memory_space<vmem>>, vector<1024x128xf32>
    %mul3A = arith.mulf %get3A_1, %get3A_4 : vector<1024x128xf32>
    %add3A = arith.addf %get3A_1, %get3A_4 : vector<1024x128xf32>
    %mul3A_8 = arith.mulf %add3A, %get3A_7 : vector<1024x128xf32>
    %add3A_9 = arith.addf %mul3A, %mul3A_8 : vector<1024x128xf32>
    %get3A_10 = arith.constant 0 : index
    %get3A_11 = arith.constant 0 : index
    %get3A_12 = vector.load %arg8[%get3A_10, %get3A_11] : memref<384x256xf32, #tpu.memory_space<vmem>>, vector<384x256xf32>
    %convert_element_type3A = arith.truncf %get3A_1 : vector<1024x128xf32> to vector<1024x128xbf16>
    %slice3A = vector.extract_strided_slice %get3A_12 {offsets = [0, 0], sizes = [128, 256], strides = [1, 1]} : vector<384x256xf32> to vector<128x256xf32>
    %convert_element_type3A_13 = arith.truncf %slice3A : vector<128x256xf32> to vector<128x256xbf16>
    %dot_general3A = arith.constant dense<0.000000e+00> : vector<1024x256xf32>
    %dot_general3A_14 = tpu.matmul %convert_element_type3A, %convert_element_type3A_13, %dot_general3A {dimension_numbers = #tpu.dot_dimension_numbers<[1], [0], [0], [1], [0, 0, 1, 1], [], []>, transpose_lhs_hint = false} : vector<1024x128xbf16>, vector<128x256xbf16>, vector<1024x256xf32> -> vector<1024x256xf32>
    %convert_element_type3A_15 = arith.truncf %get3A_4 : vector<1024x128xf32> to vector<1024x128xbf16>
    %slice3A_16 = vector.extract_strided_slice %get3A_12 {offsets = [128, 0], sizes = [128, 256], strides = [1, 1]} : vector<384x256xf32> to vector<128x256xf32>
    %convert_element_type3A_17 = arith.truncf %slice3A_16 : vector<128x256xf32> to vector<128x256xbf16>
    %dot_general3A_18 = arith.constant dense<0.000000e+00> : vector<1024x256xf32>
    %dot_general3A_19 = tpu.matmul %convert_element_type3A_15, %convert_element_type3A_17, %dot_general3A_18 {dimension_numbers = #tpu.dot_dimension_numbers<[1], [0], [0], [1], [0, 0, 1, 1], [], []>, transpose_lhs_hint = false} : vector<1024x128xbf16>, vector<128x256xbf16>, vector<1024x256xf32> -> vector<1024x256xf32>
    %add3A_20 = arith.addf %dot_general3A_14, %dot_general3A_19 : vector<1024x256xf32>
    %convert_element_type3A_21 = arith.truncf %get3A_7 : vector<1024x128xf32> to vector<1024x128xbf16>
    %slice3A_22 = vector.extract_strided_slice %get3A_12 {offsets = [256, 0], sizes = [128, 256], strides = [1, 1]} : vector<384x256xf32> to vector<128x256xf32>
    %convert_element_type3A_23 = arith.truncf %slice3A_22 : vector<128x256xf32> to vector<128x256xbf16>
    %dot_general3A_24 = arith.constant dense<0.000000e+00> : vector<1024x256xf32>
    %dot_general3A_25 = tpu.matmul %convert_element_type3A_21, %convert_element_type3A_23, %dot_general3A_24 {dimension_numbers = #tpu.dot_dimension_numbers<[1], [0], [0], [1], [0, 0, 1, 1], [], []>, transpose_lhs_hint = false} : vector<1024x128xbf16>, vector<128x256xbf16>, vector<1024x256xf32> -> vector<1024x256xf32>
    %add3A_26 = arith.addf %add3A_20, %dot_general3A_25 : vector<1024x256xf32>
    %get3A_27 = arith.constant 0 : index
    %get3A_28 = vector.load %arg9[%get3A_27] : memref<256xf32, #tpu.memory_space<vmem>>, vector<256xf32>
    %broadcast_in_dim3A = vector.shape_cast %get3A_28 : vector<256xf32> to vector<1x256xf32>
    %add3A_29 = vector.broadcast %broadcast_in_dim3A : vector<1x256xf32> to vector<1024x256xf32>
    %add3A_30 = arith.addf %add3A_26, %add3A_29 : vector<1024x256xf32>
    %max3A = arith.constant 0.000000e+00 : f32
    %max3A_31 = vector.broadcast %max3A : f32 to vector<1024x256xf32>
    %max3A_32 = arith.maximumf %add3A_30, %max3A_31 : vector<1024x256xf32>
    %convert_element_type3A_33 = arith.truncf %max3A_32 : vector<1024x256xf32> to vector<1024x256xbf16>
    %get3A_34 = arith.constant 0 : index
    %get3A_35 = arith.constant 0 : index
    %get3A_36 = vector.load %arg10[%get3A_34, %get3A_35] : memref<256x128xf32, #tpu.memory_space<vmem>>, vector<256x128xf32>
    %convert_element_type3A_37 = arith.truncf %get3A_36 : vector<256x128xf32> to vector<256x128xbf16>
    %dot_general3A_38 = arith.constant dense<0.000000e+00> : vector<1024x128xf32>
    %dot_general3A_39 = tpu.matmul %convert_element_type3A_33, %convert_element_type3A_37, %dot_general3A_38 {dimension_numbers = #tpu.dot_dimension_numbers<[1], [0], [0], [1], [0, 0, 1, 1], [], []>, transpose_lhs_hint = false} : vector<1024x256xbf16>, vector<256x128xbf16>, vector<1024x128xf32> -> vector<1024x128xf32>
    %get3A_40 = arith.constant 0 : index
    %get3A_41 = vector.load %arg11[%get3A_40] : memref<128xf32, #tpu.memory_space<vmem>>, vector<128xf32>
    %broadcast_in_dim3A_42 = vector.shape_cast %get3A_41 : vector<128xf32> to vector<1x128xf32>
    %add3A_43 = vector.broadcast %broadcast_in_dim3A_42 : vector<1x128xf32> to vector<1024x128xf32>
    %add3A_44 = arith.addf %dot_general3A_39, %add3A_43 : vector<1024x128xf32>
    %max3A_45 = arith.constant 0.000000e+00 : f32
    %max3A_46 = vector.broadcast %max3A_45 : f32 to vector<1024x128xf32>
    %max3A_47 = arith.maximumf %add3A_44, %max3A_46 : vector<1024x128xf32>
    %convert_element_type3A_48 = arith.truncf %max3A_47 : vector<1024x128xf32> to vector<1024x128xbf16>
    %get3A_49 = arith.constant 0 : index
    %get3A_50 = arith.constant 0 : index
    %get3A_51 = vector.load %arg12[%get3A_49, %get3A_50] : memref<128x64xf32, #tpu.memory_space<vmem>>, vector<128x64xf32>
    %convert_element_type3A_52 = arith.truncf %get3A_51 : vector<128x64xf32> to vector<128x64xbf16>
    %dot_general3A_53 = arith.constant dense<0.000000e+00> : vector<1024x64xf32>
    %dot_general3A_54 = tpu.matmul %convert_element_type3A_48, %convert_element_type3A_52, %dot_general3A_53 {dimension_numbers = #tpu.dot_dimension_numbers<[1], [0], [0], [1], [0, 0, 1, 1], [], []>, transpose_lhs_hint = false} : vector<1024x128xbf16>, vector<128x64xbf16>, vector<1024x64xf32> -> vector<1024x64xf32>
    %get3A_55 = arith.constant 0 : index
    %get3A_56 = vector.load %arg13[%get3A_55] : memref<64xf32, #tpu.memory_space<vmem>>, vector<64xf32>
    %broadcast_in_dim3A_57 = vector.shape_cast %get3A_56 : vector<64xf32> to vector<1x64xf32>
    %add3A_58 = vector.broadcast %broadcast_in_dim3A_57 : vector<1x64xf32> to vector<1024x64xf32>
    %add3A_59 = arith.addf %dot_general3A_54, %add3A_58 : vector<1024x64xf32>
    %max3A_60 = arith.constant 0.000000e+00 : f32
    %max3A_61 = vector.broadcast %max3A_60 : f32 to vector<1024x64xf32>
    %max3A_62 = arith.maximumf %add3A_59, %max3A_61 : vector<1024x64xf32>
    %convert_element_type3A_63 = arith.truncf %max3A_62 : vector<1024x64xf32> to vector<1024x64xbf16>
    %get3A_64 = arith.constant 0 : index
    %get3A_65 = arith.constant 0 : index
    %get3A_66 = vector.load %arg14[%get3A_64, %get3A_65] : memref<64x1xf32, #tpu.memory_space<vmem>>, vector<64x1xf32>
    %convert_element_type3A_67 = arith.truncf %get3A_66 : vector<64x1xf32> to vector<64x1xbf16>
    %dot_general3A_68 = arith.constant dense<0.000000e+00> : vector<1024x1xf32>
    %dot_general3A_69 = tpu.matmul %convert_element_type3A_63, %convert_element_type3A_67, %dot_general3A_68 {dimension_numbers = #tpu.dot_dimension_numbers<[1], [0], [0], [1], [0, 0, 1, 1], [], []>, transpose_lhs_hint = false} : vector<1024x64xbf16>, vector<64x1xbf16>, vector<1024x1xf32> -> vector<1024x1xf32>
    %broadcast_in_dim3A_70 = arith.constant 1.000000e+00 : f32
    %broadcast_in_dim3A_71 = vector.broadcast %broadcast_in_dim3A_70 : f32 to vector<128x1xf32>
    %dot_general3A_72 = arith.constant dense<0.000000e+00> : vector<1024x1xf32>
    %dot_general3A_73 = tpu.matmul %add3A_9, %broadcast_in_dim3A_71, %dot_general3A_72 {dimension_numbers = #tpu.dot_dimension_numbers<[1], [0], [0], [1], [0, 0, 1, 1], [], []>, transpose_lhs_hint = false} : vector<1024x128xf32>, vector<128x1xf32>, vector<1024x1xf32> -> vector<1024x1xf32>
    %squeeze3A = vector.shape_cast %dot_general3A_69 : vector<1024x1xf32> to vector<1024xf32>
    %squeeze3A_74 = vector.shape_cast %dot_general3A_73 : vector<1024x1xf32> to vector<1024xf32>
    %add3A_75 = arith.addf %squeeze3A, %squeeze3A_74 : vector<1024xf32>
    %get3A_76 = arith.constant 0 : index
    %get3A_77 = vector.load %arg4[%get3A_76] : memref<1024xf32, #tpu.memory_space<vmem>>, vector<1024xf32>
    %add3A_78 = arith.addf %add3A_75, %get3A_77 : vector<1024xf32>
    %get3A_79 = arith.constant 0 : index
    %get3A_80 = vector.load %arg5[%get3A_79] : memref<1024xf32, #tpu.memory_space<vmem>>, vector<1024xf32>
    %add3A_81 = arith.addf %add3A_78, %get3A_80 : vector<1024xf32>
    %get3A_82 = arith.constant 0 : index
    %get3A_83 = vector.load %arg6[%get3A_82] : memref<1024xf32, #tpu.memory_space<vmem>>, vector<1024xf32>
    %add3A_84 = arith.addf %add3A_81, %get3A_83 : vector<1024xf32>
    %get3A_85 = arith.constant 0 : index
    %get3A_86 = vector.load %arg7[%get3A_85] : memref<1xf32, #tpu.memory_space<vmem>>, vector<1xf32>
    %get3A_87 = vector.extract %get3A_86[0] : f32 from vector<1xf32>
    %add3A_88 = vector.broadcast %get3A_87 : f32 to vector<1024xf32>
    %add3A_89 = arith.addf %add3A_84, %add3A_88 : vector<1024xf32>
    %get3A_90 = arith.constant 0 : index
    %get3A_91 = vector.load %arg15[%get3A_90] : memref<1xf32, #tpu.memory_space<vmem>>, vector<1xf32>
    %get3A_92 = vector.extract %get3A_91[0] : f32 from vector<1xf32>
    %add3A_93 = vector.broadcast %get3A_92 : f32 to vector<1024xf32>
    %add3A_94 = arith.addf %add3A_89, %add3A_93 : vector<1024xf32>
    %logistic3A = arith.negf %add3A_94 : vector<1024xf32>
    %logistic3A_95 = math.exp %logistic3A : vector<1024xf32>
    %logistic3A_96 = arith.constant 1.000000e+00 : f32
    %logistic3A_97 = vector.broadcast %logistic3A_96 : f32 to vector<1024xf32>
    %logistic3A_98 = arith.addf %logistic3A_97, %logistic3A_95 : vector<1024xf32>
    %logistic3A_99 = arith.divf %logistic3A_97, %logistic3A_98 : vector<1024xf32>
    %swap3A = arith.constant 0 : index
    %swap3A_100 = vector.load %arg16[%swap3A] : memref<1024xf32, #tpu.memory_space<vmem>>, vector<1024xf32>
    tpu.vector_store %arg16[%swap3A], %logistic3A_99 {strides = array<i32>} : memref<1024xf32, #tpu.memory_space<vmem>>, vector<1024xf32>,
    return
  }
  func.func @transform_0(%arg0: i32) -> (i32, i32) {
    %add3A = arith.constant 0 : i32
    %add3A_0 = arith.addi %add3A, %arg0 : i32
    %c0_i32 = arith.constant 0 : i32
    %c0_i32_1 = arith.constant 0 : i32
    return %add3A_0, %c0_i32 : i32, i32
  }
  func.func @transform_1(%arg0: i32) -> (i32, i32) {
    %add3A = arith.constant 4 : i32
    %add3A_0 = arith.addi %add3A, %arg0 : i32
    %c0_i32 = arith.constant 0 : i32
    %c0_i32_1 = arith.constant 0 : i32
    return %add3A_0, %c0_i32 : i32, i32
  }
  func.func @transform_2(%arg0: i32) -> (i32, i32) {
    %add3A = arith.constant 8 : i32
    %add3A_0 = arith.addi %add3A, %arg0 : i32
    %c0_i32 = arith.constant 0 : i32
    %c0_i32_1 = arith.constant 0 : i32
    return %add3A_0, %c0_i32 : i32, i32
  }
  func.func @transform_3(%arg0: i32) -> i32 {
    %add3A = arith.constant 0 : i32
    %add3A_0 = arith.addi %add3A, %arg0 : i32
    %c0_i32 = arith.constant 0 : i32
    return %add3A_0 : i32
  }
  func.func @transform_4(%arg0: i32) -> i32 {
    %add3A = arith.constant 4 : i32
    %add3A_0 = arith.addi %add3A, %arg0 : i32
    %c0_i32 = arith.constant 0 : i32
    return %add3A_0 : i32
  }
  func.func @transform_5(%arg0: i32) -> i32 {
    %add3A = arith.constant 8 : i32
    %add3A_0 = arith.addi %add3A, %arg0 : i32
    %c0_i32 = arith.constant 0 : i32
    return %add3A_0 : i32
  }
  func.func @transform_6(%arg0: i32) -> i32 {
    %c0_i32 = arith.constant 0 : i32
    %c0_i32_0 = arith.constant 0 : i32
    return %c0_i32 : i32
  }
  func.func @transform_7(%arg0: i32) -> (i32, i32) {
    %c0_i32 = arith.constant 0 : i32
    %c0_i32_0 = arith.constant 0 : i32
    %c0_i32_1 = arith.constant 0 : i32
    return %c0_i32, %c0_i32_0 : i32, i32
  }
  func.func @transform_8(%arg0: i32) -> i32 {
    %c0_i32 = arith.constant 0 : i32
    %c0_i32_0 = arith.constant 0 : i32
    return %c0_i32 : i32
  }
  func.func @transform_9(%arg0: i32) -> (i32, i32) {
    %c0_i32 = arith.constant 0 : i32
    %c0_i32_0 = arith.constant 0 : i32
    %c0_i32_1 = arith.constant 0 : i32
    return %c0_i32, %c0_i32_0 : i32, i32
  }
  func.func @transform_10(%arg0: i32) -> i32 {
    %c0_i32 = arith.constant 0 : i32
    %c0_i32_0 = arith.constant 0 : i32
    return %c0_i32 : i32
  }
  func.func @transform_11(%arg0: i32) -> (i32, i32) {
    %c0_i32 = arith.constant 0 : i32
    %c0_i32_0 = arith.constant 0 : i32
    %c0_i32_1 = arith.constant 0 : i32
    return %c0_i32, %c0_i32_0 : i32, i32
  }
  func.func @transform_12(%arg0: i32) -> i32 {
    %c0_i32 = arith.constant 0 : i32
    %c0_i32_0 = arith.constant 0 : i32
    return %c0_i32 : i32
  }
  func.func @transform_13(%arg0: i32) -> (i32, i32) {
    %c0_i32 = arith.constant 0 : i32
    %c0_i32_0 = arith.constant 0 : i32
    %c0_i32_1 = arith.constant 0 : i32
    return %c0_i32, %c0_i32_0 : i32, i32
  }
  func.func @transform_14(%arg0: i32) -> i32 {
    %c0_i32 = arith.constant 0 : i32
    %c0_i32_0 = arith.constant 0 : i32
    return %c0_i32 : i32
  }
  func.func @transform_15(%arg0: i32) -> i32 {
    %c0_i32 = arith.constant 0 : i32
    return %arg0 : i32
  }
}

</mosaic_0001>

<sc_bundles>
// kernel: kernel.5.cloned.1.call-start
scs
__scs_entry_jumppad:
0x0: {  	(pc) =	sbr.rel $0x88, $3  }
0x1: {  	(tag) =	ssettag $0x0;
	lr =	simm.s32 $0x1  }
0x2: {  	[smem:$0x3F95] =	sst lr;
	_ =	strace $0xD0000000  }
0x3: {  	_ = 	snop  }
0x4: {  	_ = 	snop  }
0x5: {  	_ = 	snop  }
0x6: {  	_ = 	snop  }
0x7: {  	_ = 	snop  }
__scs_overlays_trampoline_lowered:
0x8: {  	[smem:$0x3FA4] =	sst s0  }
0x9: {  	[smem:$0x3FA5] =	sst s1  }
0xa: {  	[smem:$0x3FA6] =	sst s2  }
0xb: {  	[smem:$0x3FA7] =	sst s3  }
0xc: {  	[smem:$0x3FA8] =	sst s4  }
0xd: {  	[smem:$0x3FA9] =	sst s5  }
0xe: {  	[smem:$0x3FAA] =	sst s6  }
0xf: {  	[smem:$0x3FAB] =	sst s7  }
0x10: {  	[smem:$0x3FAC] =	sst s8  }
0x11: {  	[smem:$0x3FAD] =	sst s9;
	s0 =	simm.s32 @!p0 $0x0  }
0x12: {  	s1 =	sld [smem:$0x3F93];
	s0 =	simm.s32 @p0 $0x1  }
0x13: {  	[smem:$0x3FAE] =	sst s0;
	s0 =	simm.s32 @!p1 $0x0  }
0x14: {  	s2 =	sld [smem:$0x3F92];
	s0 =	simm.s32 @p1 $0x1  }
0x15: {  	[smem:$0x3FAF] =	sst s0;
	s0 =	simm.s32 @!p2 $0x0  }
0x16: {  	s3 =	sld [smem:$0x3FDB];
	s0 =	simm.s32 @p2 $0x1  }
0x17: {  	s4 =	simm.s32 $0x1BF5;
	[smem:$0x3FB1] =	sst s0  }
0x18: {  	s0 =	sld [smem:$0x3F94];
	_ =	swait.ge [sflag:s4], $0x0  }
0x19: {  	s7 =	sld [smem:$0x3F95]  }
0x1a: {  	s8 =	sadd.s32 $0xFFFFE003, lr  }
0x1b: {  	s9 =	sadd.s32 $0xFFFFFEF7, lr;
	s5 =	simm.s32 $0xFFFFFFFF;
	p2 =	slt.u32 s8, $0xFFFFF086  }
0x1c: {  	p1 =	slt.u32 s9, $0xF7A;
	s5 =	simm.s32 @!p2 $0x0  }
0x1d: {  	s5 =	simm.s32 @p1 $0x1;
	p0 =	seq.s32 s7, s2  }
0x1e: {  	s7 =	smul.u32 @!p0 $0xF7A, s2;
	p2 =	seq.s32 @!p0 s5, $0x0  }
0x1f: {  	s9 =	smul.u32 $0xF7A, s1;
	s8 =	simm.s32 @!p0 $0x1BF5;
	p2 =	por !p2, p0  }
0x20: {  	[sflag:s8] =	ssyncset.s32 @!p0 $0xFFFFF086;
	s6 =	sadd.s32 @!p0 s3, s7;
	s7 =	simm.s32 @!p0 $0x108  }
0x21: {  	s3 =	sadd.s32 s3, s9;
	s6 =	sadd.s32 @!p0 $0x88, s6;
	s7 =	simm.s32 @p2 $0x1082  }
0x22: {  	[simem:s7], [sflag:s8] =	dma.local @!p0 [hbm:s6], $0xF7A  }
0x23: {  	s9 =	sor.u32 $0xD0000000, s2;
	s6 =	simm.s32 $0x108;
	_ =	swait.ge @!p0 [sflag:s8], $0x0  }
0x24: {  	s3 =	sadd.s32 $0x88, s3;
	s6 =	simm.s32 @!p1 $0x1082;
	[sflag:s4] =	ssyncset.s32 $0xFFFFF086  }
0x25: {  	[simem:s6], [sflag:s4] =	dma.local [hbm:s3], $0xF7A  }
0x26: {  	[smem:$0x3F95] =	sst s1;
	(tag) =	ssettag s2;
	_ =	strace s9  }
0x27: {  	s1 =	sld [smem:$0x3FA5]  }
0x28: {  	s2 =	sld [smem:$0x3FA6]  }
0x29: {  	s4 =	sld [smem:$0x3FA8]  }
0x2a: {  	p0 =	seq.s32 s5, $0x0;
	s5 =	sld [smem:$0x3FA9]  }
0x2b: {  	s6 =	sld [smem:$0x3FAA]  }
0x2c: {  	s7 =	sld [smem:$0x3FAB]  }
0x2d: {  	s3 =	simm.s32 $0x108;
	s8 =	sld [smem:$0x3FAC]  }
0x2e: {  	s3 =	simm.s32 @!p0 $0x1082;
	s9 =	sld [smem:$0x3FAD]  }
0x2f: {  	lr =	sadd.s32 s0, s3;
	s0 =	sld [smem:$0x3FA4]  }
0x30: {  	s3 =	sld [smem:$0x3FA7]  }
0x31: {  	[smem:$0x3FB0] =	sst s10  }
0x32: {  	s10 =	sld [smem:$0x3FAE];
	_ =	sdelay $0x3  }
0x33: {  	p0 =	seq.s32 s10, $0x1;
	s10 =	sld [smem:$0x3FB0];
	_ =	sdelay $0x3  }
0x34: {  	[smem:$0x3FB0] =	sst s10  }
0x35: {  	s10 =	sld [smem:$0x3FAF];
	_ =	sdelay $0x3  }
0x36: {  	p1 =	seq.s32 s10, $0x1;
	s10 =	sld [smem:$0x3FB0];
	_ =	sdelay $0x3  }
0x37: {  	[smem:$0x3FB0] =	sst s10  }
0x38: {  	s10 =	sld [smem:$0x3FB1]  }
0x39: {  	_ = 	snop;
	(pc) =	sbr.ind lr, $3  }
0x3a: {  	_ = 	snop  }
0x3b: {  	_ = 	snop  }
0x3c: {  	p2 =	seq.s32 s10, $0x1;
	s10 =	sld [smem:$0x3FB0]  }
0x3d: {  	_ =	shalt  }
0x3e: {  	_ =	shalt  }
0x3f: {  	_ =	shalt  }
0x40: {  	_ =	shalt  }
0x41: {  	_ =	shalt  }
0x42: {  	_ =	shalt  }
0x43: {  	_ =	shalt  }
0x44: {  	_ =	shalt  }
0x45: {  	_ =	shalt  }
0x46: {  	_ =	shalt  }
0x47: {  	_ =	shalt  }
0x48: {  	_ =	shalt  }
0x49: {  	_ =	shalt  }
0x4a: {  	_ =	shalt  }
0x4b: {  	_ =	shalt  }
0x4c: {  	_ =	shalt  }
0x4d: {  	_ =	shalt  }
0x4e: {  	_ =	shalt  }
0x4f: {  	_ =	shalt  }
0x50: {  	_ =	shalt  }
0x51: {  	_ =	shalt  }
0x52: {  	_ =	shalt  }
0x53: {  	_ =	shalt  }
0x54: {  	_ =	shalt  }
0x55: {  	_ =	shalt  }
0x56: {  	_ =	shalt  }
0x57: {  	_ =	shalt  }
0x58: {  	_ =	shalt  }
0x59: {  	_ =	shalt  }
0x5a: {  	_ =	shalt  }
0x5b: {  	_ =	shalt  }
0x5c: {  	_ =	shalt  }
0x5d: {  	_ =	shalt  }
0x5e: {  	_ =	shalt  }
0x5f: {  	_ =	shalt  }
0x60: {  	_ =	shalt  }
0x61: {  	_ =	shalt  }
0x62: {  	_ =	shalt  }
0x63: {  	_ =	shalt  }
0x64: {  	_ =	shalt  }
0x65: {  	_ =	shalt  }
0x66: {  	_ =	shalt  }
0x67: {  	_ =	shalt  }
0x68: {  	_ =	shalt  }
0x69: {  	_ =	shalt  }
0x6a: {  	_ =	shalt  }
0x6b: {  	_ =	shalt  }
0x6c: {  	_ =	shalt  }
0x6d: {  	_ =	shalt  }
0x6e: {  	_ =	shalt  }
0x6f: {  	_ =	shalt  }
0x70: {  	_ =	shalt  }
0x71: {  	_ =	shalt  }
0x72: {  	_ =	shalt  }
0x73: {  	_ =	shalt  }
0x74: {  	_ =	shalt  }
0x75: {  	_ =	shalt  }
0x76: {  	_ =	shalt  }
0x77: {  	_ =	shalt  }
0x78: {  	_ =	shalt  }
0x79: {  	_ =	shalt  }
0x7a: {  	_ =	shalt  }
0x7b: {  	_ =	shalt  }
0x7c: {  	_ =	shalt  }
0x7d: {  	_ =	shalt  }
0x7e: {  	_ =	shalt  }
0x7f: {  	_ =	shalt  }
0x80: {  	_ =	shalt  }
0x81: {  	_ =	shalt  }
0x82: {  	_ =	shalt  }
0x83: {  	_ =	shalt  }
0x84: {  	_ =	shalt  }
0x85: {  	_ =	shalt  }
0x86: {  	_ =	shalt  }
0x87: {  	_ =	shalt  }
.Lfunc_end0:
.L_simem_size_0:
called_computation_lowered:
.L_overlay_start_0:
0x88: {  	s2 =	sld [smem:$0x3FD9]  }
0x89: {  	s3 =	sld [smem:$0x3FFE];
	_ =	sdelay $0x1  }
0x8a: {  	s1 =	srdreg.scid  }
0x8b: {  	s0 =	sand.u32 $0x1, s1  }
0x8c: {  	s17 =	sshll.u32 s0, $0xA;
	s2 =	sadd.s32 s3, s2  }
0x8d: {  	s2 =	sadd.s32 s2, s17  }
0x8e: {  	[smem:$0x3FBC] =	sst s2  }
0x8f: {  	_ = 	snop  }
0x90: {  	s2 =	sld [smem:$0x3FC6];
	(tm) =	ssettm $0x1  }
0x91: {  	s18 =	sld [smem:$0x3FFB];
	_ =	sdelay $0x3  }
0x92: {  	_ =	strace s18  }
0x93: {  	s3 =	sld [smem:$0x3FFC];
	_ =	sdelay $0x3  }
0x94: {  	_ =	strace s3  }
0x95: {  	s3 =	sld [smem:$0x3FFD];
	_ =	sdelay $0x3  }
0x96: {  	_ =	strace s3  }
0x97: {  	_ =	strace $0x8FFFFFFF  }
0x98: {  	s19 =	sld [smem:$0x3FDB];
	_ =	sdelay $0x1  }
0x99: {  	s4 =	simm.s32 $_scs_section_size  }
0x9a: {  	s5 =	simm.s32 $_size__tile_overlayer_lowered;
	s6 =	simm.s32 $_tile_overlayer_lowered  }
0x9b: {  	s22 =	simm.s32 $0x1BFF;
	s21 =	sshll.u32 s6, $0x1;
	s3 =	sadd.s32 s4, s19  }
0x9c: {  	s7 =	simm.s32 $0x0;
	s20 =	sshll.u32 s5, $0x1;
	s5 =	sadd.s32 s21, s3  }
0x9d: {  	[timem:s7], [sflag:s22] =	dma.local [hbm:s5], s20  }
0x9e: {  	_ =	swait.ge [sflag:s22], s20  }
0x9f: {  	s4 =	ssub.s32 $0x0, s20;
	[sflag:s22] =	ssyncset.done $0x0  }
0xa0: {  	[sflag:s22] =	ssyncadd.s32 s4;
	_ =	sdelay $0x1  }
0xa1: {  	s23 =	simm.s32 $0x1B8B  }
0xa2: {  	_ =	swait.ge [sflag:s23], $0x1  }
0xa3: {  	[sflag:s23] =	ssyncset.done $0x0  }
0xa4: {  	s25 =	simm.s32 $0x1B8E;
	s24 =	sld [smem:$0x3FFE];
	[sflag:s23] =	ssyncadd.s32 $0xFFFFFFFF  }
0xa5: {  	s26 =	simm.s32 $execute0_lowered;
	[smem:$0x3FD2] =	sst s25  }
0xa6: {  	s5 =	sshll.u32 s26, $0x1;
	_ =	strace $0x80000046;
	[dreg:$0x1] =	wrdreg $0xFFFFFFFF  }
0xa7: {  	s28 =	simm.s32 $_size_execute0_lowered;
	s3 =	sadd.s32 s3, s5;
	[dreg:$0x0] =	wrdreg $0x0  }
0xa8: {  	s5 =	sshll.u32 s28, $0x1;
	[dreg:$0x2] =	wrdreg s3  }
0xa9: {  	[dreg:$0x3] =	wrdreg s5  }
0xaa: {  	[dreg:$0x4] =	wrdreg $0xC0  }
0xab: {  	_ =	task [dreg:s7], $0x5FFFF  }
0xac: {  	[dreg:$0x1] =	wrdreg $0xFFFFFFFF  }
0xad: {  	[dreg:$0x0] =	wrdreg $0x60  }
0xae: {  	[dreg:$0x2] =	wrdreg s2  }
0xaf: {  	[dreg:$0x3] =	wrdreg s24  }
0xb0: {  	[dreg:$0x4] =	wrdreg $0x9  }
0xb1: {  	_ =	task.clear_ibuf [dreg:s7], $0x5FFFF;
	_ =	strace $0x90000046  }
0xb2: {  	s29 =	simm.s32 $0x9;
	_ =	strace $0x80000048  }
0xb3: {  	_ =	swait.ge [sflag:s29], $0x1  }
0xb4: {  	[sflag:s29] =	ssyncadd.s32 $0xFFFFFFFF  }
0xb5: {  	_ =	strace $0x90000048  }
0xb6: {  	_ =	sfence  }
0xb7: {  	s30 =	sld [smem:$0x0];
	_ =	sdelay $0x2  }
0xb8: {  	s31 =	sshll.u32 s1, $0xD;
	s1 =	sshrl.u32 s1, $0x2  }
0xb9: {  	s3 =	sand.u32 $0x4000, s31;
	s1 =	sadd.s32 s1, s30  }
0xba: {  	s0 =	sor.u32 s3, s0;
	s1 =	sshll.u32 s1, $0x11  }
0xbb: {  	s0 =	sor.u32 s1, s0  }
0xbc: {  	s0 =	sadd.s32 $0x8F2B, s0  }
0xbd: {  	[sflag:s0] =	ssyncadd.remote.s32 $0x1  }
0xbe: {  	_ =	sfence.sel $0xFFFF  }
0xbf: {  	[dreg:$0x0] =	wrdreg $0xFFFFFFFF;
	(pc) =	sbr.abs _section_cstart, $3  }
0xc0: {  	[dreg:$0x1] =	wrdreg $0xFFFFFFFF  }
0xc1: {  	_ =	task.clear_ibuf [dreg:s7], $0x2FFFF;
	_ =	strace $0x9FFFFFFF  }
0xc2: {  	(tm) =	ssettm $0x7FFFFFFF  }
0xc3: {  	_ =	shalt  }
tec
execute0_lowered:
.L_overlay_start_1:
0x0: {  	(tag) =	ssettag $0x1  }
0x1: {  	s1 =	srdreg.scid;
	s0 =	stileid.u32  }
0x2: {  	s19 =	sand.u32 $0x1, s1;
	s31 =	sshll.u32 s0, $0x1  }
0x3: {  	s2 =	rddreg [dreg:$0x0];
	s17 =	sor.u32 s19, s31  }
0x4: {  	s14 =	rddreg [dreg:$0x1];
	s4 =	smul.u32 $0x30, s17  }
0x5: {  	s3 =	simm.s32 $0x0;
	s1 =	rddreg [dreg:$0x2]  }
0x6: {  	[smem:$0x7FF] =	sst s3;
	s4 =	sadd.s32 s4, s14  }
0x7: {  	_ =	strace $0x80000047;
	s5 =	sadd.s32 $0x1800, s4;
	s4 =	simm.s32 $0x5  }
0x8: {  	[tilespmem:s3], [sflag:$0x5] =	stream.linear.gather [hbm4b:s5+s3], $0x180, $0x38;
	[tilespmem:$0xC180] =	vst v63  }
0x9: {  	_ =	swait.ge [sflag:s4], $0x180  }
0xa: {  	[sflag:s4] =	ssyncset.done $0x0  }
0xb: {  	s6 =	simm.s32 $0x60;
	s7 =	simm.s32 $0x180;
	[sflag:s4] =	ssyncadd.s32 $0xFFFFFE80  }
0xc: {  	[tilespmem:s7], [sflag:$0x1] =	stream.indirect.gather [hbm4b:s2+s6], $0x80, s3, s6, $0xb8;
	[tilespmem:$0xC180] =	vst v63  }
0xd: {  	s8 =	simm.s32 $0x3180  }
0xe: {  	[tilespmem:s8], [sflag:$0x2] =	stream.indirect.gather [hbm4b:s2+s6], $0x80, s6, s6, $0xb8;
	[tilespmem:$0xC180] =	vst v63  }
0xf: {  	s9 =	simm.s32 $0xC0;
	s10 =	simm.s32 $0x6180  }
0x10: {  	[tilespmem:s10], [sflag:$0x3] =	stream.indirect.gather [hbm4b:s2+s6], $0x80, s9, s6, $0xb8;
	[tilespmem:$0xC180] =	vst v63  }
0x11: {  	s11 =	simm.s32 $0x120;
	s12 =	simm.s32 $0x9180;
	s13 =	simm.s32 $0x1  }
0x12: {  	[tilespmem:s12], [sflag:$0x4] =	stream.indirect.gather [hbm4b:s2+s6], $0x80, s11, s6, $0xb8;
	[tilespmem:$0xC180] =	vst v63  }
0x13: {  	s15 =	smul.u32 $0x1800, s17;
	_ =	swait.ge [sflag:s13], $0x3000  }
0x14: {  	s18 =	sadd.s32 $0x1E00, s14;
	[sflag:s13] =	ssyncset.done $0x0  }
0x15: {  	s14 =	sadd.s32 s18, s15;
	[sflag:s13] =	ssyncadd.s32 $0xFFFFD000  }
0x16: {  	[hbm4b:s14+s3] =	stream.linear.scatter [tilespmem:s7], [sflag:$0x5], $0x3000, $0x38;
	[tilespmem:$0xC180] =	vst v63  }
0x17: {  	_ =	swait.ge [sflag:s4], $0x3000  }
0x18: {  	[sflag:s4] =	ssyncset.done $0x0  }
0x19: {  	s15 =	simm.s32 $0x2;
	[sflag:s4] =	ssyncadd.s32 $0xFFFFD000  }
0x1a: {  	_ =	swait.ge [sflag:s15], $0x3000  }
0x1b: {  	[sflag:s15] =	ssyncset.done $0x0  }
0x1c: {  	s16 =	sadd.s32 $0x600, s14;
	[sflag:s15] =	ssyncadd.s32 $0xFFFFD000  }
0x1d: {  	[hbm4b:s16+s3] =	stream.linear.scatter [tilespmem:s8], [sflag:$0x5], $0x3000, $0x38;
	[tilespmem:$0xC180] =	vst v63  }
0x1e: {  	_ =	swait.ge [sflag:s4], $0x3000  }
0x1f: {  	s20 =	smul.u32 $0xC000, s17;
	[sflag:s4] =	ssyncset.done $0x0  }
0x20: {  	s17 =	simm.s32 $0x3;
	[sflag:s4] =	ssyncadd.s32 $0xFFFFD000  }
0x21: {  	s20 =	sshrl.u32 s20, $0x3;
	_ =	swait.ge [sflag:s17], $0x3000  }
0x22: {  	s20 =	sadd.s32 s18, s20;
	[sflag:s17] =	ssyncset.done $0x0  }
0x23: {  	s21 =	ssub.s32 $0x2, s19;
	s18 =	sadd.s32 $0xC00, s20;
	[sflag:s17] =	ssyncadd.s32 $0xFFFFD000  }
0x24: {  	[hbm4b:s18+s3] =	stream.linear.scatter [tilespmem:s10], [sflag:$0x5], $0x3000, $0x38;
	[tilespmem:$0xC180] =	vst v63  }
0x25: {  	s22 =	sshrl.u32 s21, $0x1;
	_ =	swait.ge [sflag:s4], $0x3000  }
0x26: {  	s21 =	ssub.s32 s21, s22;
	[sflag:s4] =	ssyncset.done $0x0  }
0x27: {  	s19 =	simm.s32 $0x4;
	s21 =	smax.u32 s21, $0x1;
	[sflag:s4] =	ssyncadd.s32 $0xFFFFD000  }
0x28: {  	p0 =	sne.s32 s21, $0x1;
	_ =	swait.ge [sflag:s19], $0x3000  }
.Ltmp0:
0x29: {  	[sflag:s19] =	ssyncset.done $0x0;
	(pc) =	sbr.rel @!p0 .LBB2_2-.Ltmp0, $4  }
0x2a: {  	s20 =	sadd.s32 $0x1200, s20;
	[sflag:s19] =	ssyncadd.s32 $0xFFFFD000  }
0x2b: {  	[hbm4b:s20+s3] =	stream.linear.scatter [tilespmem:s12], [sflag:$0x5], $0x3000, $0x38;
	[tilespmem:$0xC180] =	vst v63  }
0x2c: {  	_ =	swait.ge [sflag:s4], $0x3000  }
0x2d: {  	s21 =	sadd.s32 $0xFFFFFFFF, s21;
	[sflag:s4] =	ssyncset.done $0x0  }
.LBB2_1:
0x2e: {  	p0 =	sne.s32 s21, $0x1;
	s21 =	sadd.s32 $0xFFFFFFFF, s21;
	[sflag:s4] =	ssyncadd.s32 $0xFFFFD000  }
0x2f: {  	[tilespmem:s3], [sflag:$0x5] =	stream.linear.gather [hbm4b:s5+s3], $0x180, $0x38;
	[tilespmem:$0xC180] =	vst v63  }
0x30: {  	_ =	swait.ge [sflag:s4], $0x180  }
0x31: {  	[sflag:s4] =	ssyncset.done $0x0  }
0x32: {  	[sflag:s4] =	ssyncadd.s32 $0xFFFFFE80  }
0x33: {  	[tilespmem:s7], [sflag:$0x1] =	stream.indirect.gather [hbm4b:s2+s6], $0x80, s3, s6, $0xb8;
	[tilespmem:$0xC180] =	vst v63  }
0x34: {  	_ = 	snop  }
0x35: {  	[tilespmem:s8], [sflag:$0x2] =	stream.indirect.gather [hbm4b:s2+s6], $0x80, s6, s6, $0xb8;
	[tilespmem:$0xC180] =	vst v63  }
0x36: {  	_ = 	snop  }
0x37: {  	[tilespmem:s10], [sflag:$0x3] =	stream.indirect.gather [hbm4b:s2+s6], $0x80, s9, s6, $0xb8;
	[tilespmem:$0xC180] =	vst v63  }
0x38: {  	_ = 	snop  }
0x39: {  	[tilespmem:s12], [sflag:$0x4] =	stream.indirect.gather [hbm4b:s2+s6], $0x80, s11, s6, $0xb8;
	[tilespmem:$0xC180] =	vst v63  }
0x3a: {  	_ =	swait.ge [sflag:s13], $0x3000  }
0x3b: {  	[sflag:s13] =	ssyncset.done $0x0  }
0x3c: {  	[sflag:s13] =	ssyncadd.s32 $0xFFFFD000  }
0x3d: {  	[hbm4b:s14+s3] =	stream.linear.scatter [tilespmem:s7], [sflag:$0x5], $0x3000, $0x38;
	[tilespmem:$0xC180] =	vst v63  }
0x3e: {  	_ =	swait.ge [sflag:s4], $0x3000  }
0x3f: {  	[sflag:s4] =	ssyncset.done $0x0  }
0x40: {  	[sflag:s4] =	ssyncadd.s32 $0xFFFFD000  }
0x41: {  	_ =	swait.ge [sflag:s15], $0x3000  }
0x42: {  	[sflag:s15] =	ssyncset.done $0x0  }
0x43: {  	[sflag:s15] =	ssyncadd.s32 $0xFFFFD000  }
0x44: {  	[hbm4b:s16+s3] =	stream.linear.scatter [tilespmem:s8], [sflag:$0x5], $0x3000, $0x38;
	[tilespmem:$0xC180] =	vst v63  }
0x45: {  	_ =	swait.ge [sflag:s4], $0x3000  }
0x46: {  	[sflag:s4] =	ssyncset.done $0x0  }
0x47: {  	[sflag:s4] =	ssyncadd.s32 $0xFFFFD000  }
0x48: {  	_ =	swait.ge [sflag:s17], $0x3000  }
0x49: {  	[sflag:s17] =	ssyncset.done $0x0  }
0x4a: {  	[sflag:s17] =	ssyncadd.s32 $0xFFFFD000  }
0x4b: {  	[hbm4b:s18+s3] =	stream.linear.scatter [tilespmem:s10], [sflag:$0x5], $0x3000, $0x38;
	[tilespmem:$0xC180] =	vst v63  }
0x4c: {  	_ =	swait.ge [sflag:s4], $0x3000  }
0x4d: {  	[sflag:s4] =	ssyncset.done $0x0  }
0x4e: {  	[sflag:s4] =	ssyncadd.s32 $0xFFFFD000  }
0x4f: {  	_ =	swait.ge [sflag:s19], $0x3000  }
.Ltmp1:
0x50: {  	[sflag:s19] =	ssyncset.done $0x0;
	(pc) =	sbr.rel @p0 .LBB2_1-.Ltmp1, $4  }
0x51: {  	[sflag:s19] =	ssyncadd.s32 $0xFFFFD000  }
0x52: {  	[hbm4b:s20+s3] =	stream.linear.scatter [tilespmem:s12], [sflag:$0x5], $0x3000, $0x38;
	[tilespmem:$0xC180] =	vst v63  }
0x53: {  	_ =	swait.ge [sflag:s4], $0x3000  }
0x54: {  	[sflag:s4] =	ssyncset.done $0x0  }
.LBB2_2:
0x55: {  	[sflag:s4] =	ssyncadd.s32 $0xFFFFD000  }
0x56: {  	_ =	sfence.sel $0x180000  }
0x57: {  	[bflag:$0x0] =	sbarrier.arrive $0xFFFF  }
0x58: {  	p0 =	sne.s32 s0, $0x0;
	_ =	strace $0x90000047  }
0x59: {  	s0 =	sadd.s32 @!p0 $0x100000, s1;
	[bflag:$0x2] =	sbarrier.arrive $0xFFFF  }
0x5a: {  	[sflag:s0] =	ssyncadd.tile.s32 @!p0 $0x1;
	_ =	shalt  }
.Lfunc_end2:
_tile_overlayer_lowered:
.L_overlay_start_2:
0x5b: {  	(tag) =	ssettag $0x2  }
0x5c: {  	s0 =	rddreg [dreg:$0x0];
	s2 =	stileid.u32  }
0x5d: {  	s1 =	rddreg [dreg:$0x1];
	p0 =	sne.s32 s2, $0x0  }
0x5e: {  	s3 =	rddreg [dreg:$0x2];
	[bflag:$0x3] =	sbarrier.arrive $0xFFFF;
	s2 =	simm.s32 @!p0 $0x1C05  }
0x5f: {  	[timem:s3], [sflag:s2] =	dma.local @!p0 [hbm:s0], s1  }
0x60: {  	s0 =	simm.s32 @!p0 $0x5  }
0x61: {  	_ =	swait.ge @!p0 [sflag:s0], s1  }
0x62: {  	s1 =	ssub.s32 @!p0 $0x0, s1;
	[sflag:s0] =	ssyncset.done @!p0 $0x0  }
0x63: {  	[sflag:s0] =	ssyncadd.s32 @!p0 s1  }
0x64: {  	[bflag:$0x3] =	sbarrier.arrive $0xFFFF  }
0x65: {  	_ =	shalt  }

// kernel: kernel.8.cloned.1.call-start
scs
__scs_entry_jumppad:
0x0: {  	(pc) =	sbr.rel $0x88, $3  }
0x1: {  	(tag) =	ssettag $0x0;
	lr =	simm.s32 $0x1  }
0x2: {  	[smem:$0x3F95] =	sst lr;
	_ =	strace $0xD0000000  }
0x3: {  	_ = 	snop  }
0x4: {  	_ = 	snop  }
0x5: {  	_ = 	snop  }
0x6: {  	_ = 	snop  }
0x7: {  	_ = 	snop  }
__scs_overlays_trampoline_lowered:
0x8: {  	[smem:$0x3FA4] =	sst s0  }
0x9: {  	[smem:$0x3FA5] =	sst s1  }
0xa: {  	[smem:$0x3FA6] =	sst s2  }
0xb: {  	[smem:$0x3FA7] =	sst s3  }
0xc: {  	[smem:$0x3FA8] =	sst s4  }
0xd: {  	[smem:$0x3FA9] =	sst s5  }
0xe: {  	[smem:$0x3FAA] =	sst s6  }
0xf: {  	[smem:$0x3FAB] =	sst s7  }
0x10: {  	[smem:$0x3FAC] =	sst s8  }
0x11: {  	[smem:$0x3FAD] =	sst s9;
	s0 =	simm.s32 @!p0 $0x0  }
0x12: {  	s1 =	sld [smem:$0x3F93];
	s0 =	simm.s32 @p0 $0x1  }
0x13: {  	[smem:$0x3FAE] =	sst s0;
	s0 =	simm.s32 @!p1 $0x0  }
0x14: {  	s2 =	sld [smem:$0x3F92];
	s0 =	simm.s32 @p1 $0x1  }
0x15: {  	[smem:$0x3FAF] =	sst s0;
	s0 =	simm.s32 @!p2 $0x0  }
0x16: {  	s3 =	sld [smem:$0x3FDB];
	s0 =	simm.s32 @p2 $0x1  }
0x17: {  	s4 =	simm.s32 $0x1BF5;
	[smem:$0x3FB1] =	sst s0  }
0x18: {  	s0 =	sld [smem:$0x3F94];
	_ =	swait.ge [sflag:s4], $0x0  }
0x19: {  	s7 =	sld [smem:$0x3F95]  }
0x1a: {  	s8 =	sadd.s32 $0xFFFFE003, lr  }
0x1b: {  	s9 =	sadd.s32 $0xFFFFFEF7, lr;
	s5 =	simm.s32 $0xFFFFFFFF;
	p2 =	slt.u32 s8, $0xFFFFF086  }
0x1c: {  	p1 =	slt.u32 s9, $0xF7A;
	s5 =	simm.s32 @!p2 $0x0  }
0x1d: {  	s5 =	simm.s32 @p1 $0x1;
	p0 =	seq.s32 s7, s2  }
0x1e: {  	s7 =	smul.u32 @!p0 $0xF7A, s2;
	p2 =	seq.s32 @!p0 s5, $0x0  }
0x1f: {  	s9 =	smul.u32 $0xF7A, s1;
	s8 =	simm.s32 @!p0 $0x1BF5;
	p2 =	por !p2, p0  }
0x20: {  	[sflag:s8] =	ssyncset.s32 @!p0 $0xFFFFF086;
	s6 =	sadd.s32 @!p0 s3, s7;
	s7 =	simm.s32 @!p0 $0x108  }
0x21: {  	s3 =	sadd.s32 s3, s9;
	s6 =	sadd.s32 @!p0 $0x88, s6;
	s7 =	simm.s32 @p2 $0x1082  }
0x22: {  	[simem:s7], [sflag:s8] =	dma.local @!p0 [hbm:s6], $0xF7A  }
0x23: {  	s9 =	sor.u32 $0xD0000000, s2;
	s6 =	simm.s32 $0x108;
	_ =	swait.ge @!p0 [sflag:s8], $0x0  }
0x24: {  	s3 =	sadd.s32 $0x88, s3;
	s6 =	simm.s32 @!p1 $0x1082;
	[sflag:s4] =	ssyncset.s32 $0xFFFFF086  }
0x25: {  	[simem:s6], [sflag:s4] =	dma.local [hbm:s3], $0xF7A  }
0x26: {  	[smem:$0x3F95] =	sst s1;
	(tag) =	ssettag s2;
	_ =	strace s9  }
0x27: {  	s1 =	sld [smem:$0x3FA5]  }
0x28: {  	s2 =	sld [smem:$0x3FA6]  }
0x29: {  	s4 =	sld [smem:$0x3FA8]  }
0x2a: {  	p0 =	seq.s32 s5, $0x0;
	s5 =	sld [smem:$0x3FA9]  }
0x2b: {  	s6 =	sld [smem:$0x3FAA]  }
0x2c: {  	s7 =	sld [smem:$0x3FAB]  }
0x2d: {  	s3 =	simm.s32 $0x108;
	s8 =	sld [smem:$0x3FAC]  }
0x2e: {  	s3 =	simm.s32 @!p0 $0x1082;
	s9 =	sld [smem:$0x3FAD]  }
0x2f: {  	lr =	sadd.s32 s0, s3;
	s0 =	sld [smem:$0x3FA4]  }
0x30: {  	s3 =	sld [smem:$0x3FA7]  }
0x31: {  	[smem:$0x3FB0] =	sst s10  }
0x32: {  	s10 =	sld [smem:$0x3FAE];
	_ =	sdelay $0x3  }
0x33: {  	p0 =	seq.s32 s10, $0x1;
	s10 =	sld [smem:$0x3FB0];
	_ =	sdelay $0x3  }
0x34: {  	[smem:$0x3FB0] =	sst s10  }
0x35: {  	s10 =	sld [smem:$0x3FAF];
	_ =	sdelay $0x3  }
0x36: {  	p1 =	seq.s32 s10, $0x1;
	s10 =	sld [smem:$0x3FB0];
	_ =	sdelay $0x3  }
0x37: {  	[smem:$0x3FB0] =	sst s10  }
0x38: {  	s10 =	sld [smem:$0x3FB1]  }
0x39: {  	_ = 	snop;
	(pc) =	sbr.ind lr, $3  }
0x3a: {  	_ = 	snop  }
0x3b: {  	_ = 	snop  }
0x3c: {  	p2 =	seq.s32 s10, $0x1;
	s10 =	sld [smem:$0x3FB0]  }
0x3d: {  	_ =	shalt  }
0x3e: {  	_ =	shalt  }
0x3f: {  	_ =	shalt  }
0x40: {  	_ =	shalt  }
0x41: {  	_ =	shalt  }
0x42: {  	_ =	shalt  }
0x43: {  	_ =	shalt  }
0x44: {  	_ =	shalt  }
0x45: {  	_ =	shalt  }
0x46: {  	_ =	shalt  }
0x47: {  	_ =	shalt  }
0x48: {  	_ =	shalt  }
0x49: {  	_ =	shalt  }
0x4a: {  	_ =	shalt  }
0x4b: {  	_ =	shalt  }
0x4c: {  	_ =	shalt  }
0x4d: {  	_ =	shalt  }
0x4e: {  	_ =	shalt  }
0x4f: {  	_ =	shalt  }
0x50: {  	_ =	shalt  }
0x51: {  	_ =	shalt  }
0x52: {  	_ =	shalt  }
0x53: {  	_ =	shalt  }
0x54: {  	_ =	shalt  }
0x55: {  	_ =	shalt  }
0x56: {  	_ =	shalt  }
0x57: {  	_ =	shalt  }
0x58: {  	_ =	shalt  }
0x59: {  	_ =	shalt  }
0x5a: {  	_ =	shalt  }
0x5b: {  	_ =	shalt  }
0x5c: {  	_ =	shalt  }
0x5d: {  	_ =	shalt  }
0x5e: {  	_ =	shalt  }
0x5f: {  	_ =	shalt  }
0x60: {  	_ =	shalt  }
0x61: {  	_ =	shalt  }
0x62: {  	_ =	shalt  }
0x63: {  	_ =	shalt  }
0x64: {  	_ =	shalt  }
0x65: {  	_ =	shalt  }
0x66: {  	_ =	shalt  }
0x67: {  	_ =	shalt  }
0x68: {  	_ =	shalt  }
0x69: {  	_ =	shalt  }
0x6a: {  	_ =	shalt  }
0x6b: {  	_ =	shalt  }
0x6c: {  	_ =	shalt  }
0x6d: {  	_ =	shalt  }
0x6e: {  	_ =	shalt  }
0x6f: {  	_ =	shalt  }
0x70: {  	_ =	shalt  }
0x71: {  	_ =	shalt  }
0x72: {  	_ =	shalt  }
0x73: {  	_ =	shalt  }
0x74: {  	_ =	shalt  }
0x75: {  	_ =	shalt  }
0x76: {  	_ =	shalt  }
0x77: {  	_ =	shalt  }
0x78: {  	_ =	shalt  }
0x79: {  	_ =	shalt  }
0x7a: {  	_ =	shalt  }
0x7b: {  	_ =	shalt  }
0x7c: {  	_ =	shalt  }
0x7d: {  	_ =	shalt  }
0x7e: {  	_ =	shalt  }
0x7f: {  	_ =	shalt  }
0x80: {  	_ =	shalt  }
0x81: {  	_ =	shalt  }
0x82: {  	_ =	shalt  }
0x83: {  	_ =	shalt  }
0x84: {  	_ =	shalt  }
0x85: {  	_ =	shalt  }
0x86: {  	_ =	shalt  }
0x87: {  	_ =	shalt  }
.Lfunc_end0:
.L_simem_size_0:
called_computation.1_lowered:
.L_overlay_start_0:
0x88: {  	s2 =	sld [smem:$0x3FD9]  }
0x89: {  	s3 =	sld [smem:$0x3FFE];
	_ =	sdelay $0x1  }
0x8a: {  	s1 =	srdreg.scid  }
0x8b: {  	s0 =	sand.u32 $0x1, s1  }
0x8c: {  	s16 =	sshll.u32 s0, $0xA;
	s2 =	sadd.s32 s3, s2  }
0x8d: {  	s2 =	sadd.s32 s2, s16  }
0x8e: {  	[smem:$0x3FBC] =	sst s2  }
0x8f: {  	_ = 	snop  }
0x90: {  	(tm) =	ssettm $0x1  }
0x91: {  	s17 =	sld [smem:$0x3FFB];
	_ =	sdelay $0x3  }
0x92: {  	_ =	strace s17  }
0x93: {  	s2 =	sld [smem:$0x3FFC];
	_ =	sdelay $0x3  }
0x94: {  	_ =	strace s2  }
0x95: {  	s2 =	sld [smem:$0x3FFD];
	_ =	sdelay $0x3  }
0x96: {  	_ =	strace s2  }
0x97: {  	_ =	strace $0x8FFFFFFF  }
0x98: {  	s18 =	sld [smem:$0x3FDB];
	_ =	sdelay $0x1  }
0x99: {  	s19 =	simm.s32 $_scs_section_size  }
0x9a: {  	s4 =	simm.s32 $_size__tile_overlayer_lowered;
	s5 =	simm.s32 $_tile_overlayer_lowered  }
0x9b: {  	s22 =	simm.s32 $0x1BFF;
	s21 =	sshll.u32 s5, $0x1;
	s2 =	sadd.s32 s19, s18  }
0x9c: {  	s6 =	simm.s32 $0x0;
	s20 =	sshll.u32 s4, $0x1;
	s4 =	sadd.s32 s21, s2  }
0x9d: {  	[timem:s6], [sflag:s22] =	dma.local [hbm:s4], s20  }
0x9e: {  	_ =	swait.ge [sflag:s22], s20  }
0x9f: {  	s3 =	ssub.s32 $0x0, s20;
	[sflag:s22] =	ssyncset.done $0x0  }
0xa0: {  	[sflag:s22] =	ssyncadd.s32 s3;
	_ =	sdelay $0x1  }
0xa1: {  	s23 =	simm.s32 $0x1B8B  }
0xa2: {  	_ =	swait.ge [sflag:s23], $0x1  }
0xa3: {  	[sflag:s23] =	ssyncset.done $0x0  }
0xa4: {  	s25 =	simm.s32 $0x1B8E;
	s24 =	sld [smem:$0x3FFE];
	[sflag:s23] =	ssyncadd.s32 $0xFFFFFFFF  }
0xa5: {  	s26 =	simm.s32 $execute0_lowered;
	[smem:$0x3FD2] =	sst s25  }
0xa6: {  	s4 =	sshll.u32 s26, $0x1;
	_ =	strace $0x80000049;
	[dreg:$0x1] =	wrdreg $0xFFFFFFFF  }
0xa7: {  	s28 =	simm.s32 $_size_execute0_lowered;
	s2 =	sadd.s32 s2, s4;
	[dreg:$0x0] =	wrdreg $0x0  }
0xa8: {  	s4 =	sshll.u32 s28, $0x1;
	[dreg:$0x2] =	wrdreg s2  }
0xa9: {  	[dreg:$0x3] =	wrdreg s4  }
0xaa: {  	[dreg:$0x4] =	wrdreg $0xC0  }
0xab: {  	_ =	task [dreg:s6], $0x5FFFF  }
0xac: {  	[dreg:$0x1] =	wrdreg $0xFFFFFFFF  }
0xad: {  	[dreg:$0x0] =	wrdreg $0x60  }
0xae: {  	[dreg:$0x2] =	wrdreg s24  }
0xaf: {  	[dreg:$0x3] =	wrdreg $0x9  }
0xb0: {  	_ =	task.clear_ibuf [dreg:s6], $0x4FFFF;
	_ =	strace $0x90000049  }
0xb1: {  	s29 =	simm.s32 $0x9;
	_ =	strace $0x8000004B  }
0xb2: {  	_ =	swait.ge [sflag:s29], $0x1  }
0xb3: {  	[sflag:s29] =	ssyncadd.s32 $0xFFFFFFFF  }
0xb4: {  	_ =	strace $0x9000004B  }
0xb5: {  	_ =	sfence  }
0xb6: {  	s30 =	sld [smem:$0x0];
	_ =	sdelay $0x2  }
0xb7: {  	s31 =	sshll.u32 s1, $0xD;
	s1 =	sshrl.u32 s1, $0x2  }
0xb8: {  	s3 =	sand.u32 $0x4000, s31;
	s1 =	sadd.s32 s1, s30  }
0xb9: {  	s0 =	sor.u32 s3, s0;
	s1 =	sshll.u32 s1, $0x11  }
0xba: {  	s0 =	sor.u32 s1, s0  }
0xbb: {  	s0 =	sadd.s32 $0x8F2B, s0  }
0xbc: {  	[sflag:s0] =	ssyncadd.remote.s32 $0x1  }
0xbd: {  	_ =	sfence.sel $0xFFFF  }
0xbe: {  	[dreg:$0x0] =	wrdreg $0xFFFFFFFF;
	(pc) =	sbr.abs _section_cstart, $3  }
0xbf: {  	[dreg:$0x1] =	wrdreg $0xFFFFFFFF  }
0xc0: {  	_ =	task.clear_ibuf [dreg:s6], $0x2FFFF;
	_ =	strace $0x9FFFFFFF  }
0xc1: {  	(tm) =	ssettm $0x7FFFFFFF  }
tec
execute0_lowered:
.L_overlay_start_1:
0x0: {  	(tag) =	ssettag $0x1  }
0x1: {  	s1 =	srdreg.scid;
	s0 =	stileid.u32  }
0x2: {  	s6 =	sand.u32 $0x1, s1;
	s31 =	sshll.u32 s0, $0x1  }
0x3: {  	s1 =	sor.u32 s6, s31  }
0x4: {  	s5 =	rddreg [dreg:$0x0];
	s2 =	simm.s32 $0x0;
	s3 =	smul.u32 $0x30, s1  }
0x5: {  	[smem:$0x7FF] =	sst s2  }
0x6: {  	s9 =	ssub.s32 $0x2, s6;
	s1 =	rddreg [dreg:$0x1];
	s8 =	sadd.s32 s3, s5  }
0x7: {  	_ =	strace $0x8000004A;
	s3 =	simm.s32 $0x2;
	s4 =	sadd.s32 $0x1800, s8  }
0x8: {  	[tilespmem:s2], [sflag:$0x2] =	stream.linear.gather [hbm4b:s4+s2], $0x180, $0x38;
	[tilespmem:$0x300] =	vst v63  }
0x9: {  	s7 =	simm.s32 $0x1;
	s10 =	sshrl.u32 s9, $0x1;
	_ =	swait.ge [sflag:s3], $0x180  }
0xa: {  	s6 =	simm.s32 $0x180;
	s9 =	ssub.s32 s9, s10;
	[sflag:s3] =	ssyncset.done $0x0  }
0xb: {  	s5 =	sadd.s32 $0x31E00, s5;
	s9 =	smax.u32 s9, $0x1;
	[sflag:s3] =	ssyncadd.s32 $0xFFFFFE80  }
0xc: {  	[tilespmem:s6], [sflag:$0x1] =	stream.indirect.gather [hbm4b:s5+s6], $0x1, s2, s6, $0xb8;
	[tilespmem:$0x300] =	vst v63  }
0xd: {  	p0 =	sne.s32 s9, $0x1;
	_ =	swait.ge [sflag:s7], $0x180  }
.Ltmp0:
0xe: {  	[sflag:s7] =	ssyncset.done $0x0;
	(pc) =	sbr.rel @!p0 .LBB2_2-.Ltmp0, $4  }
0xf: {  	s8 =	sadd.s32 $0x38200, s8;
	[sflag:s7] =	ssyncadd.s32 $0xFFFFFE80  }
0x10: {  	[hbm4b:s8+s2] =	stream.linear.scatter [tilespmem:s6], [sflag:$0x2], $0x180, $0x38;
	[tilespmem:$0x300] =	vst v63  }
0x11: {  	_ =	swait.ge [sflag:s3], $0x180  }
0x12: {  	s9 =	sadd.s32 $0xFFFFFFFF, s9;
	[sflag:s3] =	ssyncset.done $0x0  }
.LBB2_1:
0x13: {  	p0 =	sne.s32 s9, $0x1;
	s9 =	sadd.s32 $0xFFFFFFFF, s9;
	[sflag:s3] =	ssyncadd.s32 $0xFFFFFE80  }
0x14: {  	[tilespmem:s2], [sflag:$0x2] =	stream.linear.gather [hbm4b:s4+s2], $0x180, $0x38;
	[tilespmem:$0x300] =	vst v63  }
0x15: {  	_ =	swait.ge [sflag:s3], $0x180  }
0x16: {  	[sflag:s3] =	ssyncset.done $0x0  }
0x17: {  	[sflag:s3] =	ssyncadd.s32 $0xFFFFFE80  }
0x18: {  	[tilespmem:s6], [sflag:$0x1] =	stream.indirect.gather [hbm4b:s5+s6], $0x1, s2, s6, $0xb8;
	[tilespmem:$0x300] =	vst v63  }
0x19: {  	_ =	swait.ge [sflag:s7], $0x180  }
.Ltmp1:
0x1a: {  	[sflag:s7] =	ssyncset.done $0x0;
	(pc) =	sbr.rel @p0 .LBB2_1-.Ltmp1, $4  }
0x1b: {  	[sflag:s7] =	ssyncadd.s32 $0xFFFFFE80  }
0x1c: {  	[hbm4b:s8+s2] =	stream.linear.scatter [tilespmem:s6], [sflag:$0x2], $0x180, $0x38;
	[tilespmem:$0x300] =	vst v63  }
0x1d: {  	_ =	swait.ge [sflag:s3], $0x180  }
0x1e: {  	[sflag:s3] =	ssyncset.done $0x0  }
.LBB2_2:
0x1f: {  	[sflag:s3] =	ssyncadd.s32 $0xFFFFFE80  }
0x20: {  	_ =	sfence.sel $0x180000  }
0x21: {  	[bflag:$0x0] =	sbarrier.arrive $0xFFFF  }
0x22: {  	p0 =	sne.s32 s0, $0x0;
	_ =	strace $0x9000004A  }
0x23: {  	s0 =	sadd.s32 @!p0 $0x100000, s1;
	[bflag:$0x2] =	sbarrier.arrive $0xFFFF  }
0x24: {  	[sflag:s0] =	ssyncadd.tile.s32 @!p0 $0x1;
	_ =	shalt  }
.Lfunc_end2:
_tile_overlayer_lowered:
.L_overlay_start_2:
0x25: {  	(tag) =	ssettag $0x2  }
0x26: {  	s0 =	rddreg [dreg:$0x0];
	s2 =	stileid.u32  }
0x27: {  	s1 =	rddreg [dreg:$0x1];
	p0 =	sne.s32 s2, $0x0  }
0x28: {  	s3 =	rddreg [dreg:$0x2];
	[bflag:$0x3] =	sbarrier.arrive $0xFFFF;
	s2 =	simm.s32 @!p0 $0x1C02  }
0x29: {  	[timem:s3], [sflag:s2] =	dma.local @!p0 [hbm:s0], s1  }
0x2a: {  	s0 =	simm.s32 @!p0 $0x2  }
0x2b: {  	_ =	swait.ge @!p0 [sflag:s0], s1  }
0x2c: {  	s1 =	ssub.s32 @!p0 $0x0, s1;
	[sflag:s0] =	ssyncset.done @!p0 $0x0  }
0x2d: {  	[sflag:s0] =	ssyncadd.s32 @!p0 s1  }
0x2e: {  	[bflag:$0x3] =	sbarrier.arrive $0xFFFF  }
0x2f: {  	_ =	shalt  }

</sc_bundles>
